<compile_context>
chip_gen: v7x
topology: tpu7x:2x2x1
jax: 0.10.2.dev20260603
libtpu: 0.0.44.dev20260713+nightly
codegen_flags: <defaults>
</compile_context>

<pallas_src>
import functools

import jax
import jax.numpy as jnp
from jax import lax
from jax.experimental import pallas as pl
from jax.experimental.pallas import tpu as pltpu
from jax.experimental.pallas import tpu_sc as plsc

_D = 64
_NT = 2
_OUT_W = _NT * _D
_NC = 2
_NS = 16
_NW = _NC * _NS
_L = 16
_BB = 128
_C_BUILD = 1024


def _build_table2_body(tok_ref, tabT_ref, out_ref):
    rows = tabT_ref[...].T
    out_ref[:, :_D] = rows + tok_ref[0:1, :]
    out_ref[:, _D:] = rows + tok_ref[1:2, :]


@functools.lru_cache(maxsize=None)
def _build_table2_call(num_rows):
    grid = pl.cdiv(num_rows, _C_BUILD)
    return pl.pallas_call(
        _build_table2_body,
        grid=(grid,),
        in_specs=[
            pl.BlockSpec((_NT, _D), lambda i: (0, 0)),
            pl.BlockSpec((_D, _C_BUILD), lambda i: (0, i)),
        ],
        out_specs=pl.BlockSpec((_C_BUILD, _OUT_W), lambda i: (i, 0)),
        out_shape=jax.ShapeDtypeStruct((num_rows, _OUT_W), jnp.float32),
    )


@functools.lru_cache(maxsize=None)
def _gather_call(n_t, n_b):
    assert n_b == _NW * _BB
    mesh = plsc.VectorSubcoreMesh(
        core_axis_name="c", subcore_axis_name="s", num_cores=_NC,
        num_subcores=_NS)

    def body(idxT_hbm, tab2_hbm, out_hbm,
             idxT_v, buf0, buf1, tb0, tb1, g0, g1, w0, w1, tsem):
        wid = lax.axis_index("s") * _NC + lax.axis_index("c")
        col0 = wid * _BB
        pltpu.sync_copy(idxT_hbm.at[:, pl.ds(col0, _BB)], idxT_v)
        bufs = (buf0, buf1)
        tbs = (tb0, tb1)
        gsems = (g0, g1)
        wsems = (w0, w1)
        rowidx = [lax.iota(jnp.int32, _L) + _L * g for g in range(_BB // _L)]

        pltpu.async_copy(
            tab2_hbm.at[idxT_v.at[0]], buf0.at[:, pl.ds(0, _OUT_W)], g0)

        def pair_body(i, carry):
            for k in range(2):
                t = 2 * i + k
                bufk, tbk = bufs[k], tbs[k]
                gk, wk = gsems[k], wsems[k]
                pltpu.make_async_copy(
                    tab2_hbm.at[pl.ds(0, _BB)],
                    bufk.at[:, pl.ds(0, _OUT_W)], gk).wait()

                @pl.when(t + 1 < n_t)
                def _():
                    pltpu.async_copy(
                        tab2_hbm.at[idxT_v.at[t + 1]],
                        bufs[1 - k].at[:, pl.ds(0, _OUT_W)],
                        gsems[1 - k])

                @pl.when(t >= 2)
                def _():
                    pltpu.make_async_copy(
                        tbk, out_hbm.at[pl.ds(0, _BB), pl.ds(0, _BB)],
                        wk).wait()

                @plsc.parallel_loop(0, _D, unroll=2)
                def tp_body(i):
                    coli = jnp.full((_L,), i, jnp.int32)
                    for g in range(_BB // _L):
                        vals = plsc.load_gather(bufk, [rowidx[g], coli])
                        tbk[i, pl.ds(g * _L, _L)] = vals
                    for bb in range(2):
                        b = 2 * i + bb
                        colb = jnp.full((_L,), b, jnp.int32)
                        for g in range(4, _OUT_W // _L):
                            vals2 = bufk[b, pl.ds(g * _L, _L)]
                            plsc.store_scatter(tbk, [rowidx[g], colb], vals2)
                pltpu.async_copy(
                    tbk,
                    out_hbm.at[pl.ds(t * _OUT_W, _OUT_W),
                               pl.ds(col0, _BB)],
                    wk)
            return carry

        lax.fori_loop(0, n_t // 2, pair_body, 0)
        pltpu.make_async_copy(
            tb0, out_hbm.at[pl.ds(0, _BB), pl.ds(0, _BB)], w0).wait()
        pltpu.make_async_copy(
            tb1, out_hbm.at[pl.ds(0, _BB), pl.ds(0, _BB)], w1).wait()

    return pl.kernel(
        body,
        out_type=jax.ShapeDtypeStruct((n_t * _OUT_W, n_b), jnp.float32),
        mesh=mesh,
        scratch_types=[
            pltpu.VMEM((n_t, _BB), jnp.int32),
            pltpu.VMEM((_BB, _OUT_W + 8), jnp.float32),
            pltpu.VMEM((_BB, _OUT_W + 8), jnp.float32),
            pltpu.VMEM((_OUT_W, _BB), jnp.float32),
            pltpu.VMEM((_OUT_W, _BB), jnp.float32),
            pltpu.SemaphoreType.DMA,
            pltpu.SemaphoreType.DMA,
            pltpu.SemaphoreType.DMA,
            pltpu.SemaphoreType.DMA,
            pltpu.SemaphoreType.DMA,
        ],
        compiler_params=pltpu.CompilerParams(needs_layout_passes=False),
    )


def kernel(actions, action_embed, learned_token):
    b, t = actions.shape
    actionsT = actions.T
    tableT = action_embed.T
    tok = learned_token.reshape(_NT, _D)
    table2 = _build_table2_call(action_embed.shape[0])(tok, tableT)
    out2 = _gather_call(t, b)(actionsT, table2)
    return out2.reshape(t, _NT, _D, b).transpose(3, 0, 1, 2)

# --- scband reference (transcript-rebuilt; emitter-appended) ---
"""Pipeline reference for scband-action-encoder-1769526526214 (READ-ONLY COPY).

The authoritative reference and input builder live on the scoring server;
editing this copy changes nothing except your own understanding.
"""

import jax, jax.numpy as jnp
import numpy as np

NUM_ACTIONS = 100000
EMBED_DIM = 64
NUM_TOKENS = 2
B, T = 4096, 50

def setup_inputs(seed: int = 0) -> dict:
    key = jax.random.key(seed)
    k1, k2, k3 = jax.random.split(key, 3)
    actions = jax.random.randint(k1, (B, T), 0, NUM_ACTIONS, dtype=jnp.int64 if jax.config.jax_enable_x64 else jnp.int32)
    action_embed = jax.random.normal(k2, (NUM_ACTIONS, EMBED_DIM), dtype=jnp.float32)
    learned_token = jax.random.normal(k3, (1, 1, NUM_TOKENS, EMBED_DIM), dtype=jnp.float32) * 0.02
    return {"actions": actions, "action_embed": action_embed, "learned_token": learned_token}

def reference(actions, action_embed, learned_token):
    b, t = actions.shape
    # embedding lookup: (B, T, embed_dim)
    action_emb = jnp.take(action_embed, actions, axis=0)
    # unsqueeze(2) and expand over num_tokens: (B, T, num_tokens, embed_dim)
    action_emb = jnp.broadcast_to(action_emb[:, :, None, :], (b, t, NUM_TOKENS, EMBED_DIM))
    # add learned token (broadcast over B, T)
    tokens = action_emb + jnp.broadcast_to(learned_token, (b, t, NUM_TOKENS, EMBED_DIM))
    return tokens

if __name__ == "__main__":
    import jax
    _d = setup_inputs()
    print(jax.jit(kernel)(*tuple(_d.values())))

</pallas_src>

<mosaic_0001>
#map = affine_map<(d0, d1) -> (0, 0)>
module attributes {stable_mosaic.version = 14 : i64} {
  func.func @body(%arg0: i32, %arg1: i32, %arg2: memref<50x4096xi32, #tpu.memory_space<hbm>>, %arg3: memref<100000x128xf32, #tpu.memory_space<hbm>>, %arg4: memref<6400x4096xf32, #tpu.memory_space<hbm>>, %arg5: memref<50x128xi32, #tpu.memory_space<vmem>>, %arg6: memref<128x136xf32, #tpu.memory_space<vmem>>, %arg7: memref<128x136xf32, #tpu.memory_space<vmem>>, %arg8: memref<128x128xf32, #tpu.memory_space<vmem>>, %arg9: memref<128x128xf32, #tpu.memory_space<vmem>>, %arg10: memref<!tpu.dma_semaphore, #tpu.memory_space<semaphore_mem>>, %arg11: memref<!tpu.dma_semaphore, #tpu.memory_space<semaphore_mem>>, %arg12: memref<!tpu.dma_semaphore, #tpu.memory_space<semaphore_mem>>, %arg13: memref<!tpu.dma_semaphore, #tpu.memory_space<semaphore_mem>>, %arg14: memref<!tpu.dma_semaphore, #tpu.memory_space<semaphore_mem>>) attributes {dimension_semantics = [#tpu.dimension_semantics<core_parallel>, #tpu.dimension_semantics<subcore_parallel>], iteration_bounds = array<i64: 2, 16>, scalar_prefetch = 0 : i64, scratch_operands = 10 : i64, tpu.core_type = #tpu.core_type<sc_vector_subcore>, window_params = [{transform_indices = #map}, {transform_indices = #map}, {transform_indices = #map}]} {
    %mul3A = arith.constant 2 : i32
    %mul3A_0 = arith.muli %arg1, %mul3A : i32
    %add3A = arith.addi %mul3A_0, %arg0 : i32
    %mul3A_1 = arith.constant 128 : i32
    %mul3A_2 = arith.muli %add3A, %mul3A_1 : i32
    "tpu.region"() ({
      %run_scoped3A = tpu.sem_alloc : memref<!tpu.dma_semaphore, #tpu.memory_space<semaphore_mem>>
      %dma_start3A_59 = arith.constant 0 : i32
      %dma_start3A_60 = tpu.memref_slice %arg2[%dma_start3A_59, %mul3A_2] : memref<50x4096xi32, #tpu.memory_space<hbm>> -> memref<50x128xi32, #tpu.memory_space<hbm>>
      %dma_start3A_61 = arith.constant 0 : i32
      %dma_start3A_62 = tpu.memref_slice %arg2[%dma_start3A_61, %mul3A_2] : memref<50x4096xi32, #tpu.memory_space<hbm>> -> memref<50x128xi32, #tpu.memory_space<hbm>>
      tpu.enqueue_dma source(%dma_start3A_62 : memref<50x128xi32, #tpu.memory_space<hbm>>) target(%arg5 : memref<50x128xi32, #tpu.memory_space<vmem>>) target_semaphore(%run_scoped3A : memref<!tpu.dma_semaphore, #tpu.memory_space<semaphore_mem>>)
      %dma_wait3A_63 = arith.constant 0 : i32
      %dma_wait3A_64 = tpu.memref_slice %arg2[%dma_wait3A_63, %mul3A_2] : memref<50x4096xi32, #tpu.memory_space<hbm>> -> memref<50x128xi32, #tpu.memory_space<hbm>>
      %dma_wait3A_65 = arith.constant 0 : i32
      %dma_wait3A_66 = tpu.memref_slice %arg2[%dma_wait3A_65, %mul3A_2] : memref<50x4096xi32, #tpu.memory_space<hbm>> -> memref<50x128xi32, #tpu.memory_space<hbm>>
      tpu.wait_dma2 semaphore(%run_scoped3A : memref<!tpu.dma_semaphore, #tpu.memory_space<semaphore_mem>>) src(%dma_wait3A_66 : memref<50x128xi32, #tpu.memory_space<hbm>>) dst(%arg5 : memref<50x128xi32, #tpu.memory_space<vmem>>)
      tpu.yield
    }) : () -> ()
    %iota3A = tpu.iota {dimensions = array<i32: 0>} : vector<16xi32>
    %add3A_3 = arith.constant 0 : i32
    %add3A_4 = vector.broadcast %add3A_3 : i32 to vector<16xi32>
    %add3A_5 = arith.addi %iota3A, %add3A_4 : vector<16xi32>
    %iota3A_6 = tpu.iota {dimensions = array<i32: 0>} : vector<16xi32>
    %add3A_7 = arith.constant 16 : i32
    %add3A_8 = vector.broadcast %add3A_7 : i32 to vector<16xi32>
    %add3A_9 = arith.addi %iota3A_6, %add3A_8 : vector<16xi32>
    %iota3A_10 = tpu.iota {dimensions = array<i32: 0>} : vector<16xi32>
    %add3A_11 = arith.constant 32 : i32
    %add3A_12 = vector.broadcast %add3A_11 : i32 to vector<16xi32>
    %add3A_13 = arith.addi %iota3A_10, %add3A_12 : vector<16xi32>
    %iota3A_14 = tpu.iota {dimensions = array<i32: 0>} : vector<16xi32>
    %add3A_15 = arith.constant 48 : i32
    %add3A_16 = vector.broadcast %add3A_15 : i32 to vector<16xi32>
    %add3A_17 = arith.addi %iota3A_14, %add3A_16 : vector<16xi32>
    %iota3A_18 = tpu.iota {dimensions = array<i32: 0>} : vector<16xi32>
    %add3A_19 = arith.constant 64 : i32
    %add3A_20 = vector.broadcast %add3A_19 : i32 to vector<16xi32>
    %add3A_21 = arith.addi %iota3A_18, %add3A_20 : vector<16xi32>
    %iota3A_22 = tpu.iota {dimensions = array<i32: 0>} : vector<16xi32>
    %add3A_23 = arith.constant 80 : i32
    %add3A_24 = vector.broadcast %add3A_23 : i32 to vector<16xi32>
    %add3A_25 = arith.addi %iota3A_22, %add3A_24 : vector<16xi32>
    %iota3A_26 = tpu.iota {dimensions = array<i32: 0>} : vector<16xi32>
    %add3A_27 = arith.constant 96 : i32
    %add3A_28 = vector.broadcast %add3A_27 : i32 to vector<16xi32>
    %add3A_29 = arith.addi %iota3A_26, %add3A_28 : vector<16xi32>
    %iota3A_30 = tpu.iota {dimensions = array<i32: 0>} : vector<16xi32>
    %add3A_31 = arith.constant 112 : i32
    %add3A_32 = vector.broadcast %add3A_31 : i32 to vector<16xi32>
    %add3A_33 = arith.addi %iota3A_30, %add3A_32 : vector<16xi32>
    %dma_start3A = arith.constant 0 : i32
    %dma_start3A_34 = arith.constant 0 : i32
    %dma_start3A_35 = arith.constant 0 : i32
    %dma_start3A_36 = tpu.memref_slice %arg6[%dma_start3A_34, %dma_start3A_35] : memref<128x136xf32, #tpu.memory_space<vmem>> -> memref<128x128xf32, #tpu.memory_space<vmem>>
    %dma_start3A_37 = arith.constant 0 : i32
    %dma_start3A_38 = tpu.memref_slice %arg5[%dma_start3A, %dma_start3A_37] : memref<50x128xi32, #tpu.memory_space<vmem>> -> memref<1x128xi32, #tpu.memory_space<vmem>>
    %dma_start3A_39 = tpu.memref_squeeze %dma_start3A_38 : memref<1x128xi32, #tpu.memory_space<vmem>> -> memref<128xi32, #tpu.memory_space<vmem>>
    %dma_start3A_40 = arith.constant 0 : i32
    %dma_start3A_41 = arith.constant 0 : i32
    %dma_start3A_42 = tpu.memref_slice %arg3[%dma_start3A_40, %dma_start3A_41] : memref<100000x128xf32, #tpu.memory_space<hbm>> -> memref<100000x128xf32, #tpu.memory_space<hbm>>
    tpu.enqueue_indirect_dma source(%dma_start3A_42 : memref<100000x128xf32, #tpu.memory_space<hbm>>) target(%dma_start3A_36 : memref<128x128xf32, #tpu.memory_space<vmem>>) offsets(%dma_start3A_39 : memref<128xi32, #tpu.memory_space<vmem>>) semaphore(%arg10 : memref<!tpu.dma_semaphore, #tpu.memory_space<semaphore_mem>>)
    %scan3A = arith.constant 0 : i32
    %scan3A_43 = arith.constant 0 : i32
    %scan3A_44 = arith.constant 25 : i32
    %scan3A_45 = arith.addi %scan3A_43, %scan3A_44 : i32
    %scan3A_46 = arith.constant 1 : i32
    scf.for %scan3A_59 = %scan3A_43 to %scan3A_45 step %scan3A_46  : i32 {
      %mul3A_60 = arith.constant 2 : i32
      %mul3A_61 = arith.muli %mul3A_60, %scan3A_59 : i32
      %add3A_62 = arith.constant 0 : i32
      %add3A_63 = arith.addi %mul3A_61, %add3A_62 : i32
      %dma_wait3A_64 = arith.constant 0 : i32
      %dma_wait3A_65 = arith.constant 0 : i32
      %dma_wait3A_66 = tpu.memref_slice %arg6[%dma_wait3A_64, %dma_wait3A_65] : memref<128x136xf32, #tpu.memory_space<vmem>> -> memref<128x128xf32, #tpu.memory_space<vmem>>
      %dma_wait3A_67 = arith.constant 0 : i32
      %dma_wait3A_68 = arith.constant 0 : i32
      %dma_wait3A_69 = tpu.memref_slice %arg3[%dma_wait3A_67, %dma_wait3A_68] : memref<100000x128xf32, #tpu.memory_space<hbm>> -> memref<128x128xf32, #tpu.memory_space<hbm>>
      %dma_wait3A_70 = arith.constant 0 : i32
      %dma_wait3A_71 = arith.constant 0 : i32
      %dma_wait3A_72 = tpu.memref_slice %arg6[%dma_wait3A_70, %dma_wait3A_71] : memref<128x136xf32, #tpu.memory_space<vmem>> -> memref<128x128xf32, #tpu.memory_space<vmem>>
      %dma_wait3A_73 = arith.constant 0 : i32
      %dma_wait3A_74 = arith.constant 0 : i32
      %dma_wait3A_75 = tpu.memref_slice %arg3[%dma_wait3A_73, %dma_wait3A_74] : memref<100000x128xf32, #tpu.memory_space<hbm>> -> memref<128x128xf32, #tpu.memory_space<hbm>>
      tpu.wait_dma2 semaphore(%arg10 : memref<!tpu.dma_semaphore, #tpu.memory_space<semaphore_mem>>) src(%dma_wait3A_75 : memref<128x128xf32, #tpu.memory_space<hbm>>) dst(%dma_wait3A_72 : memref<128x128xf32, #tpu.memory_space<vmem>>)
      %add3A_76 = arith.constant 1 : i32
      %add3A_77 = arith.addi %add3A_63, %add3A_76 : i32
      %lt3A = arith.constant 50 : i32
      %lt3A_78 = arith.cmpi slt, %add3A_77, %lt3A : i32
      %convert_element_type3A = arith.extui %lt3A_78 : i1 to i32
      %cond3A = arith.constant 0 : i32
      %cond3A_79 = arith.cmpi ne, %convert_element_type3A, %cond3A : i32
      scf.if %cond3A_79 {
        %add3A_125 = arith.constant 1 : i32
        %add3A_126 = arith.addi %add3A_63, %add3A_125 : i32
        %dma_start3A_127 = arith.constant 0 : i32
        %dma_start3A_128 = arith.constant 0 : i32
        %dma_start3A_129 = tpu.memref_slice %arg7[%dma_start3A_127, %dma_start3A_128] : memref<128x136xf32, #tpu.memory_space<vmem>> -> memref<128x128xf32, #tpu.memory_space<vmem>>
        %dma_start3A_130 = arith.constant 0 : i32
        %dma_start3A_131 = tpu.memref_slice %arg5[%add3A_126, %dma_start3A_130] : memref<50x128xi32, #tpu.memory_space<vmem>> -> memref<1x128xi32, #tpu.memory_space<vmem>>
        %dma_start3A_132 = tpu.memref_squeeze %dma_start3A_131 : memref<1x128xi32, #tpu.memory_space<vmem>> -> memref<128xi32, #tpu.memory_space<vmem>>
        %dma_start3A_133 = arith.constant 0 : i32
        %dma_start3A_134 = arith.constant 0 : i32
        %dma_start3A_135 = tpu.memref_slice %arg3[%dma_start3A_133, %dma_start3A_134] : memref<100000x128xf32, #tpu.memory_space<hbm>> -> memref<100000x128xf32, #tpu.memory_space<hbm>>
        tpu.enqueue_indirect_dma source(%dma_start3A_135 : memref<100000x128xf32, #tpu.memory_space<hbm>>) target(%dma_start3A_129 : memref<128x128xf32, #tpu.memory_space<vmem>>) offsets(%dma_start3A_132 : memref<128xi32, #tpu.memory_space<vmem>>) semaphore(%arg11 : memref<!tpu.dma_semaphore, #tpu.memory_space<semaphore_mem>>)
      } else {
      }
      %ge3A = arith.constant 2 : i32
      %ge3A_80 = arith.cmpi sge, %add3A_63, %ge3A : i32
      %convert_element_type3A_81 = arith.extui %ge3A_80 : i1 to i32
      %cond3A_82 = arith.constant 0 : i32
      %cond3A_83 = arith.cmpi ne, %convert_element_type3A_81, %cond3A_82 : i32
      scf.if %cond3A_83 {
        %dma_wait3A_125 = arith.constant 0 : i32
        %dma_wait3A_126 = arith.constant 0 : i32
        %dma_wait3A_127 = tpu.memref_slice %arg4[%dma_wait3A_125, %dma_wait3A_126] : memref<6400x4096xf32, #tpu.memory_space<hbm>> -> memref<128x128xf32, #tpu.memory_space<hbm>>
        %dma_wait3A_128 = arith.constant 0 : i32
        %dma_wait3A_129 = arith.constant 0 : i32
        %dma_wait3A_130 = tpu.memref_slice %arg4[%dma_wait3A_128, %dma_wait3A_129] : memref<6400x4096xf32, #tpu.memory_space<hbm>> -> memref<128x128xf32, #tpu.memory_space<hbm>>
        tpu.wait_dma2 semaphore(%arg12 : memref<!tpu.dma_semaphore, #tpu.memory_space<semaphore_mem>>) src(%arg8 : memref<128x128xf32, #tpu.memory_space<vmem>>) dst(%dma_wait3A_130 : memref<128x128xf32, #tpu.memory_space<hbm>>)
      } else {
      }
      %parallel_loop3A = arith.constant 0 : i32
      %parallel_loop3A_84 = arith.constant 64 : i32
      %parallel_loop3A_85 = arith.constant 1 : i32
      scf.for %parallel_loop3A_125 = %parallel_loop3A to %parallel_loop3A_84 step %parallel_loop3A_85  : i32 {
        %parallel_loop3A_126 = vector.broadcast %parallel_loop3A_125 : i32 to vector<16xi32>
        %parallel_loop3A_127 = tpu.vector_load_idx %arg6[%add3A_5, %parallel_loop3A_126] : memref<128x136xf32, #tpu.memory_space<vmem>>[vector<16xi32>, vector<16xi32>], vector<16xf32>,
        %parallel_loop3A_128 = arith.index_cast %parallel_loop3A_125 : i32 to index
        %parallel_loop3A_129 = arith.constant 0 : index
        %parallel_loop3A_130 = tpu.vector_load %arg8[%parallel_loop3A_128, %parallel_loop3A_129] {strides = array<i32>} : memref<128x128xf32, #tpu.memory_space<vmem>>, vector<16xf32>,
        tpu.vector_store %arg8[%parallel_loop3A_128, %parallel_loop3A_129], %parallel_loop3A_127 {strides = array<i32>} : memref<128x128xf32, #tpu.memory_space<vmem>>, vector<16xf32>,
        %parallel_loop3A_131 = tpu.vector_load_idx %arg6[%add3A_9, %parallel_loop3A_126] : memref<128x136xf32, #tpu.memory_space<vmem>>[vector<16xi32>, vector<16xi32>], vector<16xf32>,
        %parallel_loop3A_132 = arith.index_cast %parallel_loop3A_125 : i32 to index
        %parallel_loop3A_133 = arith.constant 16 : index
        %parallel_loop3A_134 = tpu.vector_load %arg8[%parallel_loop3A_132, %parallel_loop3A_133] {strides = array<i32>} : memref<128x128xf32, #tpu.memory_space<vmem>>, vector<16xf32>,
        tpu.vector_store %arg8[%parallel_loop3A_132, %parallel_loop3A_133], %parallel_loop3A_131 {strides = array<i32>} : memref<128x128xf32, #tpu.memory_space<vmem>>, vector<16xf32>,
        %parallel_loop3A_135 = tpu.vector_load_idx %arg6[%add3A_13, %parallel_loop3A_126] : memref<128x136xf32, #tpu.memory_space<vmem>>[vector<16xi32>, vector<16xi32>], vector<16xf32>,
        %parallel_loop3A_136 = arith.index_cast %parallel_loop3A_125 : i32 to index
        %parallel_loop3A_137 = arith.constant 32 : index
        %parallel_loop3A_138 = tpu.vector_load %arg8[%parallel_loop3A_136, %parallel_loop3A_137] {strides = array<i32>} : memref<128x128xf32, #tpu.memory_space<vmem>>, vector<16xf32>,
        tpu.vector_store %arg8[%parallel_loop3A_136, %parallel_loop3A_137], %parallel_loop3A_135 {strides = array<i32>} : memref<128x128xf32, #tpu.memory_space<vmem>>, vector<16xf32>,
        %parallel_loop3A_139 = tpu.vector_load_idx %arg6[%add3A_17, %parallel_loop3A_126] : memref<128x136xf32, #tpu.memory_space<vmem>>[vector<16xi32>, vector<16xi32>], vector<16xf32>,
        %parallel_loop3A_140 = arith.index_cast %parallel_loop3A_125 : i32 to index
        %parallel_loop3A_141 = arith.constant 48 : index
        %parallel_loop3A_142 = tpu.vector_load %arg8[%parallel_loop3A_140, %parallel_loop3A_141] {strides = array<i32>} : memref<128x128xf32, #tpu.memory_space<vmem>>, vector<16xf32>,
        tpu.vector_store %arg8[%parallel_loop3A_140, %parallel_loop3A_141], %parallel_loop3A_139 {strides = array<i32>} : memref<128x128xf32, #tpu.memory_space<vmem>>, vector<16xf32>,
        %parallel_loop3A_143 = tpu.vector_load_idx %arg6[%add3A_21, %parallel_loop3A_126] : memref<128x136xf32, #tpu.memory_space<vmem>>[vector<16xi32>, vector<16xi32>], vector<16xf32>,
        %parallel_loop3A_144 = arith.index_cast %parallel_loop3A_125 : i32 to index
        %parallel_loop3A_145 = arith.constant 64 : index
        %parallel_loop3A_146 = tpu.vector_load %arg8[%parallel_loop3A_144, %parallel_loop3A_145] {strides = array<i32>} : memref<128x128xf32, #tpu.memory_space<vmem>>, vector<16xf32>,
        tpu.vector_store %arg8[%parallel_loop3A_144, %parallel_loop3A_145], %parallel_loop3A_143 {strides = array<i32>} : memref<128x128xf32, #tpu.memory_space<vmem>>, vector<16xf32>,
        %parallel_loop3A_147 = tpu.vector_load_idx %arg6[%add3A_25, %parallel_loop3A_126] : memref<128x136xf32, #tpu.memory_space<vmem>>[vector<16xi32>, vector<16xi32>], vector<16xf32>,
        %parallel_loop3A_148 = arith.index_cast %parallel_loop3A_125 : i32 to index
        %parallel_loop3A_149 = arith.constant 80 : index
        %parallel_loop3A_150 = tpu.vector_load %arg8[%parallel_loop3A_148, %parallel_loop3A_149] {strides = array<i32>} : memref<128x128xf32, #tpu.memory_space<vmem>>, vector<16xf32>,
        tpu.vector_store %arg8[%parallel_loop3A_148, %parallel_loop3A_149], %parallel_loop3A_147 {strides = array<i32>} : memref<128x128xf32, #tpu.memory_space<vmem>>, vector<16xf32>,
        %parallel_loop3A_151 = tpu.vector_load_idx %arg6[%add3A_29, %parallel_loop3A_126] : memref<128x136xf32, #tpu.memory_space<vmem>>[vector<16xi32>, vector<16xi32>], vector<16xf32>,
        %parallel_loop3A_152 = arith.index_cast %parallel_loop3A_125 : i32 to index
        %parallel_loop3A_153 = arith.constant 96 : index
        %parallel_loop3A_154 = tpu.vector_load %arg8[%parallel_loop3A_152, %parallel_loop3A_153] {strides = array<i32>} : memref<128x128xf32, #tpu.memory_space<vmem>>, vector<16xf32>,
        tpu.vector_store %arg8[%parallel_loop3A_152, %parallel_loop3A_153], %parallel_loop3A_151 {strides = array<i32>} : memref<128x128xf32, #tpu.memory_space<vmem>>, vector<16xf32>,
        %parallel_loop3A_155 = tpu.vector_load_idx %arg6[%add3A_33, %parallel_loop3A_126] : memref<128x136xf32, #tpu.memory_space<vmem>>[vector<16xi32>, vector<16xi32>], vector<16xf32>,
        %parallel_loop3A_156 = arith.index_cast %parallel_loop3A_125 : i32 to index
        %parallel_loop3A_157 = arith.constant 112 : index
        %parallel_loop3A_158 = tpu.vector_load %arg8[%parallel_loop3A_156, %parallel_loop3A_157] {strides = array<i32>} : memref<128x128xf32, #tpu.memory_space<vmem>>, vector<16xf32>,
        tpu.vector_store %arg8[%parallel_loop3A_156, %parallel_loop3A_157], %parallel_loop3A_155 {strides = array<i32>} : memref<128x128xf32, #tpu.memory_space<vmem>>, vector<16xf32>,
        %parallel_loop3A_159 = arith.constant 2 : i32
        %parallel_loop3A_160 = arith.muli %parallel_loop3A_159, %parallel_loop3A_125 : i32
        %parallel_loop3A_161 = arith.constant 0 : i32
        %parallel_loop3A_162 = arith.addi %parallel_loop3A_160, %parallel_loop3A_161 : i32
        %parallel_loop3A_163 = vector.broadcast %parallel_loop3A_162 : i32 to vector<16xi32>
        %parallel_loop3A_164 = arith.index_cast %parallel_loop3A_162 : i32 to index
        %parallel_loop3A_165 = arith.constant 64 : index
        %parallel_loop3A_166 = tpu.vector_load %arg6[%parallel_loop3A_164, %parallel_loop3A_165] {strides = array<i32>} : memref<128x136xf32, #tpu.memory_space<vmem>>, vector<16xf32>,
        tpu.vector_store_idx %arg8[%add3A_21, %parallel_loop3A_163], %parallel_loop3A_166 : memref<128x128xf32, #tpu.memory_space<vmem>>[vector<16xi32>, vector<16xi32>], vector<16xf32>,
        %parallel_loop3A_167 = arith.index_cast %parallel_loop3A_162 : i32 to index
        %parallel_loop3A_168 = arith.constant 80 : index
        %parallel_loop3A_169 = tpu.vector_load %arg6[%parallel_loop3A_167, %parallel_loop3A_168] {strides = array<i32>} : memref<128x136xf32, #tpu.memory_space<vmem>>, vector<16xf32>,
        tpu.vector_store_idx %arg8[%add3A_25, %parallel_loop3A_163], %parallel_loop3A_169 : memref<128x128xf32, #tpu.memory_space<vmem>>[vector<16xi32>, vector<16xi32>], vector<16xf32>,
        %parallel_loop3A_170 = arith.index_cast %parallel_loop3A_162 : i32 to index
        %parallel_loop3A_171 = arith.constant 96 : index
        %parallel_loop3A_172 = tpu.vector_load %arg6[%parallel_loop3A_170, %parallel_loop3A_171] {strides = array<i32>} : memref<128x136xf32, #tpu.memory_space<vmem>>, vector<16xf32>,
        tpu.vector_store_idx %arg8[%add3A_29, %parallel_loop3A_163], %parallel_loop3A_172 : memref<128x128xf32, #tpu.memory_space<vmem>>[vector<16xi32>, vector<16xi32>], vector<16xf32>,
        %parallel_loop3A_173 = arith.index_cast %parallel_loop3A_162 : i32 to index
        %parallel_loop3A_174 = arith.constant 112 : index
        %parallel_loop3A_175 = tpu.vector_load %arg6[%parallel_loop3A_173, %parallel_loop3A_174] {strides = array<i32>} : memref<128x136xf32, #tpu.memory_space<vmem>>, vector<16xf32>,
        tpu.vector_store_idx %arg8[%add3A_33, %parallel_loop3A_163], %parallel_loop3A_175 : memref<128x128xf32, #tpu.memory_space<vmem>>[vector<16xi32>, vector<16xi32>], vector<16xf32>,
        %parallel_loop3A_176 = arith.constant 2 : i32
        %parallel_loop3A_177 = arith.muli %parallel_loop3A_176, %parallel_loop3A_125 : i32
        %parallel_loop3A_178 = arith.constant 1 : i32
        %parallel_loop3A_179 = arith.addi %parallel_loop3A_177, %parallel_loop3A_178 : i32
        %parallel_loop3A_180 = vector.broadcast %parallel_loop3A_179 : i32 to vector<16xi32>
        %parallel_loop3A_181 = arith.index_cast %parallel_loop3A_179 : i32 to index
        %parallel_loop3A_182 = arith.constant 64 : index
        %parallel_loop3A_183 = tpu.vector_load %arg6[%parallel_loop3A_181, %parallel_loop3A_182] {strides = array<i32>} : memref<128x136xf32, #tpu.memory_space<vmem>>, vector<16xf32>,
        tpu.vector_store_idx %arg8[%add3A_21, %parallel_loop3A_180], %parallel_loop3A_183 : memref<128x128xf32, #tpu.memory_space<vmem>>[vector<16xi32>, vector<16xi32>], vector<16xf32>,
        %parallel_loop3A_184 = arith.index_cast %parallel_loop3A_179 : i32 to index
        %parallel_loop3A_185 = arith.constant 80 : index
        %parallel_loop3A_186 = tpu.vector_load %arg6[%parallel_loop3A_184, %parallel_loop3A_185] {strides = array<i32>} : memref<128x136xf32, #tpu.memory_space<vmem>>, vector<16xf32>,
        tpu.vector_store_idx %arg8[%add3A_25, %parallel_loop3A_180], %parallel_loop3A_186 : memref<128x128xf32, #tpu.memory_space<vmem>>[vector<16xi32>, vector<16xi32>], vector<16xf32>,
        %parallel_loop3A_187 = arith.index_cast %parallel_loop3A_179 : i32 to index
        %parallel_loop3A_188 = arith.constant 96 : index
        %parallel_loop3A_189 = tpu.vector_load %arg6[%parallel_loop3A_187, %parallel_loop3A_188] {strides = array<i32>} : memref<128x136xf32, #tpu.memory_space<vmem>>, vector<16xf32>,
        tpu.vector_store_idx %arg8[%add3A_29, %parallel_loop3A_180], %parallel_loop3A_189 : memref<128x128xf32, #tpu.memory_space<vmem>>[vector<16xi32>, vector<16xi32>], vector<16xf32>,
        %parallel_loop3A_190 = arith.index_cast %parallel_loop3A_179 : i32 to index
        %parallel_loop3A_191 = arith.constant 112 : index
        %parallel_loop3A_192 = tpu.vector_load %arg6[%parallel_loop3A_190, %parallel_loop3A_191] {strides = array<i32>} : memref<128x136xf32, #tpu.memory_space<vmem>>, vector<16xf32>,
        tpu.vector_store_idx %arg8[%add3A_33, %parallel_loop3A_180], %parallel_loop3A_192 : memref<128x128xf32, #tpu.memory_space<vmem>>[vector<16xi32>, vector<16xi32>], vector<16xf32>,
      } {sc.loop_unroll_factor = 2 : i64, sc.parallel_access}
      %mul3A_86 = arith.constant 128 : i32
      %mul3A_87 = arith.muli %add3A_63, %mul3A_86 : i32
      %dma_start3A_88 = tpu.memref_slice %arg4[%mul3A_87, %mul3A_2] : memref<6400x4096xf32, #tpu.memory_space<hbm>> -> memref<128x128xf32, #tpu.memory_space<hbm>>
      %dma_start3A_89 = tpu.memref_slice %arg4[%mul3A_87, %mul3A_2] : memref<6400x4096xf32, #tpu.memory_space<hbm>> -> memref<128x128xf32, #tpu.memory_space<hbm>>
      tpu.enqueue_dma source(%arg8 : memref<128x128xf32, #tpu.memory_space<vmem>>) target(%dma_start3A_89 : memref<128x128xf32, #tpu.memory_space<hbm>>) target_semaphore(%arg12 : memref<!tpu.dma_semaphore, #tpu.memory_space<semaphore_mem>>)
      %mul3A_90 = arith.constant 2 : i32
      %mul3A_91 = arith.muli %mul3A_90, %scan3A_59 : i32
      %add3A_92 = arith.constant 1 : i32
      %add3A_93 = arith.addi %mul3A_91, %add3A_92 : i32
      %dma_wait3A_94 = arith.constant 0 : i32
      %dma_wait3A_95 = arith.constant 0 : i32
      %dma_wait3A_96 = tpu.memref_slice %arg7[%dma_wait3A_94, %dma_wait3A_95] : memref<128x136xf32, #tpu.memory_space<vmem>> -> memref<128x128xf32, #tpu.memory_space<vmem>>
      %dma_wait3A_97 = arith.constant 0 : i32
      %dma_wait3A_98 = arith.constant 0 : i32
      %dma_wait3A_99 = tpu.memref_slice %arg3[%dma_wait3A_97, %dma_wait3A_98] : memref<100000x128xf32, #tpu.memory_space<hbm>> -> memref<128x128xf32, #tpu.memory_space<hbm>>
      %dma_wait3A_100 = arith.constant 0 : i32
      %dma_wait3A_101 = arith.constant 0 : i32
      %dma_wait3A_102 = tpu.memref_slice %arg7[%dma_wait3A_100, %dma_wait3A_101] : memref<128x136xf32, #tpu.memory_space<vmem>> -> memref<128x128xf32, #tpu.memory_space<vmem>>
      %dma_wait3A_103 = arith.constant 0 : i32
      %dma_wait3A_104 = arith.constant 0 : i32
      %dma_wait3A_105 = tpu.memref_slice %arg3[%dma_wait3A_103, %dma_wait3A_104] : memref<100000x128xf32, #tpu.memory_space<hbm>> -> memref<128x128xf32, #tpu.memory_space<hbm>>
      tpu.wait_dma2 semaphore(%arg11 : memref<!tpu.dma_semaphore, #tpu.memory_space<semaphore_mem>>) src(%dma_wait3A_105 : memref<128x128xf32, #tpu.memory_space<hbm>>) dst(%dma_wait3A_102 : memref<128x128xf32, #tpu.memory_space<vmem>>)
      %add3A_106 = arith.constant 1 : i32
      %add3A_107 = arith.addi %add3A_93, %add3A_106 : i32
      %lt3A_108 = arith.constant 50 : i32
      %lt3A_109 = arith.cmpi slt, %add3A_107, %lt3A_108 : i32
      %convert_element_type3A_110 = arith.extui %lt3A_109 : i1 to i32
      %cond3A_111 = arith.constant 0 : i32
      %cond3A_112 = arith.cmpi ne, %convert_element_type3A_110, %cond3A_111 : i32
      scf.if %cond3A_112 {
        %add3A_125 = arith.constant 1 : i32
        %add3A_126 = arith.addi %add3A_93, %add3A_125 : i32
        %dma_start3A_127 = arith.constant 0 : i32
        %dma_start3A_128 = arith.constant 0 : i32
        %dma_start3A_129 = tpu.memref_slice %arg6[%dma_start3A_127, %dma_start3A_128] : memref<128x136xf32, #tpu.memory_space<vmem>> -> memref<128x128xf32, #tpu.memory_space<vmem>>
        %dma_start3A_130 = arith.constant 0 : i32
        %dma_start3A_131 = tpu.memref_slice %arg5[%add3A_126, %dma_start3A_130] : memref<50x128xi32, #tpu.memory_space<vmem>> -> memref<1x128xi32, #tpu.memory_space<vmem>>
        %dma_start3A_132 = tpu.memref_squeeze %dma_start3A_131 : memref<1x128xi32, #tpu.memory_space<vmem>> -> memref<128xi32, #tpu.memory_space<vmem>>
        %dma_start3A_133 = arith.constant 0 : i32
        %dma_start3A_134 = arith.constant 0 : i32
        %dma_start3A_135 = tpu.memref_slice %arg3[%dma_start3A_133, %dma_start3A_134] : memref<100000x128xf32, #tpu.memory_space<hbm>> -> memref<100000x128xf32, #tpu.memory_space<hbm>>
        tpu.enqueue_indirect_dma source(%dma_start3A_135 : memref<100000x128xf32, #tpu.memory_space<hbm>>) target(%dma_start3A_129 : memref<128x128xf32, #tpu.memory_space<vmem>>) offsets(%dma_start3A_132 : memref<128xi32, #tpu.memory_space<vmem>>) semaphore(%arg10 : memref<!tpu.dma_semaphore, #tpu.memory_space<semaphore_mem>>)
      } else {
      }
      %ge3A_113 = arith.constant 2 : i32
      %ge3A_114 = arith.cmpi sge, %add3A_93, %ge3A_113 : i32
      %convert_element_type3A_115 = arith.extui %ge3A_114 : i1 to i32
      %cond3A_116 = arith.constant 0 : i32
      %cond3A_117 = arith.cmpi ne, %convert_element_type3A_115, %cond3A_116 : i32
      scf.if %cond3A_117 {
        %dma_wait3A_125 = arith.constant 0 : i32
        %dma_wait3A_126 = arith.constant 0 : i32
        %dma_wait3A_127 = tpu.memref_slice %arg4[%dma_wait3A_125, %dma_wait3A_126] : memref<6400x4096xf32, #tpu.memory_space<hbm>> -> memref<128x128xf32, #tpu.memory_space<hbm>>
        %dma_wait3A_128 = arith.constant 0 : i32
        %dma_wait3A_129 = arith.constant 0 : i32
        %dma_wait3A_130 = tpu.memref_slice %arg4[%dma_wait3A_128, %dma_wait3A_129] : memref<6400x4096xf32, #tpu.memory_space<hbm>> -> memref<128x128xf32, #tpu.memory_space<hbm>>
        tpu.wait_dma2 semaphore(%arg13 : memref<!tpu.dma_semaphore, #tpu.memory_space<semaphore_mem>>) src(%arg9 : memref<128x128xf32, #tpu.memory_space<vmem>>) dst(%dma_wait3A_130 : memref<128x128xf32, #tpu.memory_space<hbm>>)
      } else {
      }
      %parallel_loop3A_118 = arith.constant 0 : i32
      %parallel_loop3A_119 = arith.constant 64 : i32
      %parallel_loop3A_120 = arith.constant 1 : i32
      scf.for %parallel_loop3A_125 = %parallel_loop3A_118 to %parallel_loop3A_119 step %parallel_loop3A_120  : i32 {
        %parallel_loop3A_126 = vector.broadcast %parallel_loop3A_125 : i32 to vector<16xi32>
        %parallel_loop3A_127 = tpu.vector_load_idx %arg7[%add3A_5, %parallel_loop3A_126] : memref<128x136xf32, #tpu.memory_space<vmem>>[vector<16xi32>, vector<16xi32>], vector<16xf32>,
        %parallel_loop3A_128 = arith.index_cast %parallel_loop3A_125 : i32 to index
        %parallel_loop3A_129 = arith.constant 0 : index
        %parallel_loop3A_130 = tpu.vector_load %arg9[%parallel_loop3A_128, %parallel_loop3A_129] {strides = array<i32>} : memref<128x128xf32, #tpu.memory_space<vmem>>, vector<16xf32>,
        tpu.vector_store %arg9[%parallel_loop3A_128, %parallel_loop3A_129], %parallel_loop3A_127 {strides = array<i32>} : memref<128x128xf32, #tpu.memory_space<vmem>>, vector<16xf32>,
        %parallel_loop3A_131 = tpu.vector_load_idx %arg7[%add3A_9, %parallel_loop3A_126] : memref<128x136xf32, #tpu.memory_space<vmem>>[vector<16xi32>, vector<16xi32>], vector<16xf32>,
        %parallel_loop3A_132 = arith.index_cast %parallel_loop3A_125 : i32 to index
        %parallel_loop3A_133 = arith.constant 16 : index
        %parallel_loop3A_134 = tpu.vector_load %arg9[%parallel_loop3A_132, %parallel_loop3A_133] {strides = array<i32>} : memref<128x128xf32, #tpu.memory_space<vmem>>, vector<16xf32>,
        tpu.vector_store %arg9[%parallel_loop3A_132, %parallel_loop3A_133], %parallel_loop3A_131 {strides = array<i32>} : memref<128x128xf32, #tpu.memory_space<vmem>>, vector<16xf32>,
        %parallel_loop3A_135 = tpu.vector_load_idx %arg7[%add3A_13, %parallel_loop3A_126] : memref<128x136xf32, #tpu.memory_space<vmem>>[vector<16xi32>, vector<16xi32>], vector<16xf32>,
        %parallel_loop3A_136 = arith.index_cast %parallel_loop3A_125 : i32 to index
        %parallel_loop3A_137 = arith.constant 32 : index
        %parallel_loop3A_138 = tpu.vector_load %arg9[%parallel_loop3A_136, %parallel_loop3A_137] {strides = array<i32>} : memref<128x128xf32, #tpu.memory_space<vmem>>, vector<16xf32>,
        tpu.vector_store %arg9[%parallel_loop3A_136, %parallel_loop3A_137], %parallel_loop3A_135 {strides = array<i32>} : memref<128x128xf32, #tpu.memory_space<vmem>>, vector<16xf32>,
        %parallel_loop3A_139 = tpu.vector_load_idx %arg7[%add3A_17, %parallel_loop3A_126] : memref<128x136xf32, #tpu.memory_space<vmem>>[vector<16xi32>, vector<16xi32>], vector<16xf32>,
        %parallel_loop3A_140 = arith.index_cast %parallel_loop3A_125 : i32 to index
        %parallel_loop3A_141 = arith.constant 48 : index
        %parallel_loop3A_142 = tpu.vector_load %arg9[%parallel_loop3A_140, %parallel_loop3A_141] {strides = array<i32>} : memref<128x128xf32, #tpu.memory_space<vmem>>, vector<16xf32>,
        tpu.vector_store %arg9[%parallel_loop3A_140, %parallel_loop3A_141], %parallel_loop3A_139 {strides = array<i32>} : memref<128x128xf32, #tpu.memory_space<vmem>>, vector<16xf32>,
        %parallel_loop3A_143 = tpu.vector_load_idx %arg7[%add3A_21, %parallel_loop3A_126] : memref<128x136xf32, #tpu.memory_space<vmem>>[vector<16xi32>, vector<16xi32>], vector<16xf32>,
        %parallel_loop3A_144 = arith.index_cast %parallel_loop3A_125 : i32 to index
        %parallel_loop3A_145 = arith.constant 64 : index
        %parallel_loop3A_146 = tpu.vector_load %arg9[%parallel_loop3A_144, %parallel_loop3A_145] {strides = array<i32>} : memref<128x128xf32, #tpu.memory_space<vmem>>, vector<16xf32>,
        tpu.vector_store %arg9[%parallel_loop3A_144, %parallel_loop3A_145], %parallel_loop3A_143 {strides = array<i32>} : memref<128x128xf32, #tpu.memory_space<vmem>>, vector<16xf32>,
        %parallel_loop3A_147 = tpu.vector_load_idx %arg7[%add3A_25, %parallel_loop3A_126] : memref<128x136xf32, #tpu.memory_space<vmem>>[vector<16xi32>, vector<16xi32>], vector<16xf32>,
        %parallel_loop3A_148 = arith.index_cast %parallel_loop3A_125 : i32 to index
        %parallel_loop3A_149 = arith.constant 80 : index
        %parallel_loop3A_150 = tpu.vector_load %arg9[%parallel_loop3A_148, %parallel_loop3A_149] {strides = array<i32>} : memref<128x128xf32, #tpu.memory_space<vmem>>, vector<16xf32>,
        tpu.vector_store %arg9[%parallel_loop3A_148, %parallel_loop3A_149], %parallel_loop3A_147 {strides = array<i32>} : memref<128x128xf32, #tpu.memory_space<vmem>>, vector<16xf32>,
        %parallel_loop3A_151 = tpu.vector_load_idx %arg7[%add3A_29, %parallel_loop3A_126] : memref<128x136xf32, #tpu.memory_space<vmem>>[vector<16xi32>, vector<16xi32>], vector<16xf32>,
        %parallel_loop3A_152 = arith.index_cast %parallel_loop3A_125 : i32 to index
        %parallel_loop3A_153 = arith.constant 96 : index
        %parallel_loop3A_154 = tpu.vector_load %arg9[%parallel_loop3A_152, %parallel_loop3A_153] {strides = array<i32>} : memref<128x128xf32, #tpu.memory_space<vmem>>, vector<16xf32>,
        tpu.vector_store %arg9[%parallel_loop3A_152, %parallel_loop3A_153], %parallel_loop3A_151 {strides = array<i32>} : memref<128x128xf32, #tpu.memory_space<vmem>>, vector<16xf32>,
        %parallel_loop3A_155 = tpu.vector_load_idx %arg7[%add3A_33, %parallel_loop3A_126] : memref<128x136xf32, #tpu.memory_space<vmem>>[vector<16xi32>, vector<16xi32>], vector<16xf32>,
        %parallel_loop3A_156 = arith.index_cast %parallel_loop3A_125 : i32 to index
        %parallel_loop3A_157 = arith.constant 112 : index
        %parallel_loop3A_158 = tpu.vector_load %arg9[%parallel_loop3A_156, %parallel_loop3A_157] {strides = array<i32>} : memref<128x128xf32, #tpu.memory_space<vmem>>, vector<16xf32>,
        tpu.vector_store %arg9[%parallel_loop3A_156, %parallel_loop3A_157], %parallel_loop3A_155 {strides = array<i32>} : memref<128x128xf32, #tpu.memory_space<vmem>>, vector<16xf32>,
        %parallel_loop3A_159 = arith.constant 2 : i32
        %parallel_loop3A_160 = arith.muli %parallel_loop3A_159, %parallel_loop3A_125 : i32
        %parallel_loop3A_161 = arith.constant 0 : i32
        %parallel_loop3A_162 = arith.addi %parallel_loop3A_160, %parallel_loop3A_161 : i32
        %parallel_loop3A_163 = vector.broadcast %parallel_loop3A_162 : i32 to vector<16xi32>
        %parallel_loop3A_164 = arith.index_cast %parallel_loop3A_162 : i32 to index
        %parallel_loop3A_165 = arith.constant 64 : index
        %parallel_loop3A_166 = tpu.vector_load %arg7[%parallel_loop3A_164, %parallel_loop3A_165] {strides = array<i32>} : memref<128x136xf32, #tpu.memory_space<vmem>>, vector<16xf32>,
        tpu.vector_store_idx %arg9[%add3A_21, %parallel_loop3A_163], %parallel_loop3A_166 : memref<128x128xf32, #tpu.memory_space<vmem>>[vector<16xi32>, vector<16xi32>], vector<16xf32>,
        %parallel_loop3A_167 = arith.index_cast %parallel_loop3A_162 : i32 to index
        %parallel_loop3A_168 = arith.constant 80 : index
        %parallel_loop3A_169 = tpu.vector_load %arg7[%parallel_loop3A_167, %parallel_loop3A_168] {strides = array<i32>} : memref<128x136xf32, #tpu.memory_space<vmem>>, vector<16xf32>,
        tpu.vector_store_idx %arg9[%add3A_25, %parallel_loop3A_163], %parallel_loop3A_169 : memref<128x128xf32, #tpu.memory_space<vmem>>[vector<16xi32>, vector<16xi32>], vector<16xf32>,
        %parallel_loop3A_170 = arith.index_cast %parallel_loop3A_162 : i32 to index
        %parallel_loop3A_171 = arith.constant 96 : index
        %parallel_loop3A_172 = tpu.vector_load %arg7[%parallel_loop3A_170, %parallel_loop3A_171] {strides = array<i32>} : memref<128x136xf32, #tpu.memory_space<vmem>>, vector<16xf32>,
        tpu.vector_store_idx %arg9[%add3A_29, %parallel_loop3A_163], %parallel_loop3A_172 : memref<128x128xf32, #tpu.memory_space<vmem>>[vector<16xi32>, vector<16xi32>], vector<16xf32>,
        %parallel_loop3A_173 = arith.index_cast %parallel_loop3A_162 : i32 to index
        %parallel_loop3A_174 = arith.constant 112 : index
        %parallel_loop3A_175 = tpu.vector_load %arg7[%parallel_loop3A_173, %parallel_loop3A_174] {strides = array<i32>} : memref<128x136xf32, #tpu.memory_space<vmem>>, vector<16xf32>,
        tpu.vector_store_idx %arg9[%add3A_33, %parallel_loop3A_163], %parallel_loop3A_175 : memref<128x128xf32, #tpu.memory_space<vmem>>[vector<16xi32>, vector<16xi32>], vector<16xf32>,
        %parallel_loop3A_176 = arith.constant 2 : i32
        %parallel_loop3A_177 = arith.muli %parallel_loop3A_176, %parallel_loop3A_125 : i32
        %parallel_loop3A_178 = arith.constant 1 : i32
        %parallel_loop3A_179 = arith.addi %parallel_loop3A_177, %parallel_loop3A_178 : i32
        %parallel_loop3A_180 = vector.broadcast %parallel_loop3A_179 : i32 to vector<16xi32>
        %parallel_loop3A_181 = arith.index_cast %parallel_loop3A_179 : i32 to index
        %parallel_loop3A_182 = arith.constant 64 : index
        %parallel_loop3A_183 = tpu.vector_load %arg7[%parallel_loop3A_181, %parallel_loop3A_182] {strides = array<i32>} : memref<128x136xf32, #tpu.memory_space<vmem>>, vector<16xf32>,
        tpu.vector_store_idx %arg9[%add3A_21, %parallel_loop3A_180], %parallel_loop3A_183 : memref<128x128xf32, #tpu.memory_space<vmem>>[vector<16xi32>, vector<16xi32>], vector<16xf32>,
        %parallel_loop3A_184 = arith.index_cast %parallel_loop3A_179 : i32 to index
        %parallel_loop3A_185 = arith.constant 80 : index
        %parallel_loop3A_186 = tpu.vector_load %arg7[%parallel_loop3A_184, %parallel_loop3A_185] {strides = array<i32>} : memref<128x136xf32, #tpu.memory_space<vmem>>, vector<16xf32>,
        tpu.vector_store_idx %arg9[%add3A_25, %parallel_loop3A_180], %parallel_loop3A_186 : memref<128x128xf32, #tpu.memory_space<vmem>>[vector<16xi32>, vector<16xi32>], vector<16xf32>,
        %parallel_loop3A_187 = arith.index_cast %parallel_loop3A_179 : i32 to index
        %parallel_loop3A_188 = arith.constant 96 : index
        %parallel_loop3A_189 = tpu.vector_load %arg7[%parallel_loop3A_187, %parallel_loop3A_188] {strides = array<i32>} : memref<128x136xf32, #tpu.memory_space<vmem>>, vector<16xf32>,
        tpu.vector_store_idx %arg9[%add3A_29, %parallel_loop3A_180], %parallel_loop3A_189 : memref<128x128xf32, #tpu.memory_space<vmem>>[vector<16xi32>, vector<16xi32>], vector<16xf32>,
        %parallel_loop3A_190 = arith.index_cast %parallel_loop3A_179 : i32 to index
        %parallel_loop3A_191 = arith.constant 112 : index
        %parallel_loop3A_192 = tpu.vector_load %arg7[%parallel_loop3A_190, %parallel_loop3A_191] {strides = array<i32>} : memref<128x136xf32, #tpu.memory_space<vmem>>, vector<16xf32>,
        tpu.vector_store_idx %arg9[%add3A_33, %parallel_loop3A_180], %parallel_loop3A_192 : memref<128x128xf32, #tpu.memory_space<vmem>>[vector<16xi32>, vector<16xi32>], vector<16xf32>,
      } {sc.loop_unroll_factor = 2 : i64, sc.parallel_access}
      %mul3A_121 = arith.constant 128 : i32
      %mul3A_122 = arith.muli %add3A_93, %mul3A_121 : i32
      %dma_start3A_123 = tpu.memref_slice %arg4[%mul3A_122, %mul3A_2] : memref<6400x4096xf32, #tpu.memory_space<hbm>> -> memref<128x128xf32, #tpu.memory_space<hbm>>
      %dma_start3A_124 = tpu.memref_slice %arg4[%mul3A_122, %mul3A_2] : memref<6400x4096xf32, #tpu.memory_space<hbm>> -> memref<128x128xf32, #tpu.memory_space<hbm>>
      tpu.enqueue_dma source(%arg9 : memref<128x128xf32, #tpu.memory_space<vmem>>) target(%dma_start3A_124 : memref<128x128xf32, #tpu.memory_space<hbm>>) target_semaphore(%arg13 : memref<!tpu.dma_semaphore, #tpu.memory_space<semaphore_mem>>)
    }
    %scan3A_47 = arith.constant 25 : i32
    %dma_wait3A = arith.constant 0 : i32
    %dma_wait3A_48 = arith.constant 0 : i32
    %dma_wait3A_49 = tpu.memref_slice %arg4[%dma_wait3A, %dma_wait3A_48] : memref<6400x4096xf32, #tpu.memory_space<hbm>> -> memref<128x128xf32, #tpu.memory_space<hbm>>
    %dma_wait3A_50 = arith.constant 0 : i32
    %dma_wait3A_51 = arith.constant 0 : i32
    %dma_wait3A_52 = tpu.memref_slice %arg4[%dma_wait3A_50, %dma_wait3A_51] : memref<6400x4096xf32, #tpu.memory_space<hbm>> -> memref<128x128xf32, #tpu.memory_space<hbm>>
    tpu.wait_dma2 semaphore(%arg12 : memref<!tpu.dma_semaphore, #tpu.memory_space<semaphore_mem>>) src(%arg8 : memref<128x128xf32, #tpu.memory_space<vmem>>) dst(%dma_wait3A_52 : memref<128x128xf32, #tpu.memory_space<hbm>>)
    %dma_wait3A_53 = arith.constant 0 : i32
    %dma_wait3A_54 = arith.constant 0 : i32
    %dma_wait3A_55 = tpu.memref_slice %arg4[%dma_wait3A_53, %dma_wait3A_54] : memref<6400x4096xf32, #tpu.memory_space<hbm>> -> memref<128x128xf32, #tpu.memory_space<hbm>>
    %dma_wait3A_56 = arith.constant 0 : i32
    %dma_wait3A_57 = arith.constant 0 : i32
    %dma_wait3A_58 = tpu.memref_slice %arg4[%dma_wait3A_56, %dma_wait3A_57] : memref<6400x4096xf32, #tpu.memory_space<hbm>> -> memref<128x128xf32, #tpu.memory_space<hbm>>
    tpu.wait_dma2 semaphore(%arg13 : memref<!tpu.dma_semaphore, #tpu.memory_space<semaphore_mem>>) src(%arg9 : memref<128x128xf32, #tpu.memory_space<vmem>>) dst(%dma_wait3A_58 : memref<128x128xf32, #tpu.memory_space<hbm>>)
    return
  }
}

module attributes {stable_mosaic.version = 14 : i64} {
  func.func @_build_table2_body(%arg0: i32, %arg1: memref<2x64xf32, #tpu.memory_space<vmem>>, %arg2: memref<64x1024xf32, #tpu.memory_space<vmem>>, %arg3: memref<1024x128xf32, #tpu.memory_space<vmem>>) attributes {dimension_semantics = [#tpu.dimension_semantics<arbitrary>], iteration_bounds = array<i64: 98>, scalar_prefetch = 0 : i64, scratch_operands = 0 : i64, tpu.core_type = #tpu.core_type<tc>, window_params = [{pipeline_mode = #tpu.pipeline_mode<synchronous>, transform_indices = @transform_0, window_bounds = array<i64: 2, 64>}, {transform_indices = @transform_1, window_bounds = array<i64: 64, 1024>}, {transform_indices = @transform_2, window_bounds = array<i64: 1024, 128>}]} {
    %get3A = arith.constant 0 : index
    %get3A_0 = arith.constant 0 : index
    %get3A_1 = vector.load %arg2[%get3A, %get3A_0] : memref<64x1024xf32, #tpu.memory_space<vmem>>, vector<64x1024xf32>
    %transpose3A = tpu.transpose %get3A_1, [1, 0] : vector<64x1024xf32> -> vector<1024x64xf32>
    %get3A_2 = arith.constant 0 : index
    %get3A_3 = arith.constant 0 : index
    %get3A_4 = vector.load %arg1[%get3A_2, %get3A_3] : memref<2x64xf32, #tpu.memory_space<vmem>>, vector<1x64xf32>
    %add3A = vector.broadcast %get3A_4 : vector<1x64xf32> to vector<1024x64xf32>
    %add3A_5 = arith.addf %transpose3A, %add3A : vector<1024x64xf32>
    %swap3A = arith.constant 0 : index
    %swap3A_6 = arith.constant 0 : index
    %swap3A_7 = vector.load %arg3[%swap3A, %swap3A_6] : memref<1024x128xf32, #tpu.memory_space<vmem>>, vector<1024x64xf32>
    tpu.vector_store %arg3[%swap3A, %swap3A_6], %add3A_5 {strides = array<i32>} : memref<1024x128xf32, #tpu.memory_space<vmem>>, vector<1024x64xf32>,
    %get3A_8 = arith.constant 1 : index
    %get3A_9 = arith.constant 0 : index
    %get3A_10 = vector.load %arg1[%get3A_8, %get3A_9] : memref<2x64xf32, #tpu.memory_space<vmem>>, vector<1x64xf32>
    %add3A_11 = vector.broadcast %get3A_10 : vector<1x64xf32> to vector<1024x64xf32>
    %add3A_12 = arith.addf %transpose3A, %add3A_11 : vector<1024x64xf32>
    %swap3A_13 = arith.constant 0 : index
    %swap3A_14 = arith.constant 64 : index
    %swap3A_15 = vector.load %arg3[%swap3A_13, %swap3A_14] : memref<1024x128xf32, #tpu.memory_space<vmem>>, vector<1024x64xf32>
    tpu.vector_store %arg3[%swap3A_13, %swap3A_14], %add3A_12 {strides = array<i32>} : memref<1024x128xf32, #tpu.memory_space<vmem>>, vector<1024x64xf32>,
    return
  }
  func.func @transform_0(%arg0: i32) -> (i32, i32) {
    %c0_i32 = arith.constant 0 : i32
    %c0_i32_0 = arith.constant 0 : i32
    %c0_i32_1 = arith.constant 0 : i32
    return %c0_i32, %c0_i32_0 : i32, i32
  }
  func.func @transform_1(%arg0: i32) -> (i32, i32) {
    %c0_i32 = arith.constant 0 : i32
    %c0_i32_0 = arith.constant 0 : i32
    return %c0_i32, %arg0 : i32, i32
  }
  func.func @transform_2(%arg0: i32) -> (i32, i32) {
    %c0_i32 = arith.constant 0 : i32
    %c0_i32_0 = arith.constant 0 : i32
    return %arg0, %c0_i32 : i32, i32
  }
}

</mosaic_0001>

<sc_bundles>
// kernel: kernel.4.cloned.1.call-start
scs
__scs_entry_jumppad:
0x0: {  	(pc) =	sbr.rel $0x88, $3  }
0x1: {  	(tag) =	ssettag $0x0;
	lr =	simm.s32 $0x1  }
0x2: {  	[smem:$0x3F9E] =	sst lr;
	_ =	strace $0xD0000000  }
0x3: {  	_ = 	snop  }
0x4: {  	_ = 	snop  }
0x5: {  	_ = 	snop  }
0x6: {  	_ = 	snop  }
0x7: {  	_ = 	snop  }
__scs_overlays_trampoline_lowered:
0x8: {  	[smem:$0x3FAD] =	sst s0  }
0x9: {  	[smem:$0x3FAE] =	sst s1  }
0xa: {  	[smem:$0x3FAF] =	sst s2  }
0xb: {  	[smem:$0x3FB0] =	sst s3  }
0xc: {  	[smem:$0x3FB1] =	sst s4  }
0xd: {  	[smem:$0x3FB2] =	sst s5  }
0xe: {  	[smem:$0x3FB3] =	sst s6  }
0xf: {  	[smem:$0x3FB4] =	sst s7  }
0x10: {  	[smem:$0x3FB5] =	sst s8  }
0x11: {  	[smem:$0x3FB6] =	sst s9;
	s0 =	simm.s32 @!p0 $0x0  }
0x12: {  	s1 =	sld [smem:$0x3F9C];
	s0 =	simm.s32 @p0 $0x1  }
0x13: {  	[smem:$0x3FB7] =	sst s0;
	s0 =	simm.s32 @!p1 $0x0  }
0x14: {  	s2 =	sld [smem:$0x3F9B];
	s0 =	simm.s32 @p1 $0x1  }
0x15: {  	[smem:$0x3FB8] =	sst s0;
	s0 =	simm.s32 @!p2 $0x0  }
0x16: {  	s3 =	sld [smem:$0x3FDB];
	s0 =	simm.s32 @p2 $0x1  }
0x17: {  	s4 =	simm.s32 $0x1BF5;
	[smem:$0x3FBA] =	sst s0  }
0x18: {  	s0 =	sld [smem:$0x3F9D];
	_ =	swait.ge [sflag:s4], $0x0  }
0x19: {  	s7 =	sld [smem:$0x3F9E]  }
0x1a: {  	s8 =	sadd.s32 $0xFFFFE003, lr  }
0x1b: {  	s9 =	sadd.s32 $0xFFFFFEF7, lr;
	s5 =	simm.s32 $0xFFFFFFFF;
	p2 =	slt.u32 s8, $0xFFFFF086  }
0x1c: {  	p1 =	slt.u32 s9, $0xF7A;
	s5 =	simm.s32 @!p2 $0x0  }
0x1d: {  	s5 =	simm.s32 @p1 $0x1;
	p0 =	seq.s32 s7, s2  }
0x1e: {  	s7 =	smul.u32 @!p0 $0xF7A, s2;
	p2 =	seq.s32 @!p0 s5, $0x0  }
0x1f: {  	s9 =	smul.u32 $0xF7A, s1;
	s8 =	simm.s32 @!p0 $0x1BF5;
	p2 =	por !p2, p0  }
0x20: {  	[sflag:s8] =	ssyncset.s32 @!p0 $0xFFFFF086;
	s6 =	sadd.s32 @!p0 s3, s7;
	s7 =	simm.s32 @!p0 $0x108  }
0x21: {  	s3 =	sadd.s32 s3, s9;
	s6 =	sadd.s32 @!p0 $0x88, s6;
	s7 =	simm.s32 @p2 $0x1082  }
0x22: {  	[simem:s7], [sflag:s8] =	dma.local @!p0 [hbm:s6], $0xF7A  }
0x23: {  	s9 =	sor.u32 $0xD0000000, s2;
	s6 =	simm.s32 $0x108;
	_ =	swait.ge @!p0 [sflag:s8], $0x0  }
0x24: {  	s3 =	sadd.s32 $0x88, s3;
	s6 =	simm.s32 @!p1 $0x1082;
	[sflag:s4] =	ssyncset.s32 $0xFFFFF086  }
0x25: {  	[simem:s6], [sflag:s4] =	dma.local [hbm:s3], $0xF7A  }
0x26: {  	[smem:$0x3F9E] =	sst s1;
	(tag) =	ssettag s2;
	_ =	strace s9  }
0x27: {  	s1 =	sld [smem:$0x3FAE]  }
0x28: {  	s2 =	sld [smem:$0x3FAF]  }
0x29: {  	s4 =	sld [smem:$0x3FB1]  }
0x2a: {  	p0 =	seq.s32 s5, $0x0;
	s5 =	sld [smem:$0x3FB2]  }
0x2b: {  	s6 =	sld [smem:$0x3FB3]  }
0x2c: {  	s7 =	sld [smem:$0x3FB4]  }
0x2d: {  	s3 =	simm.s32 $0x108;
	s8 =	sld [smem:$0x3FB5]  }
0x2e: {  	s3 =	simm.s32 @!p0 $0x1082;
	s9 =	sld [smem:$0x3FB6]  }
0x2f: {  	lr =	sadd.s32 s0, s3;
	s0 =	sld [smem:$0x3FAD]  }
0x30: {  	s3 =	sld [smem:$0x3FB0]  }
0x31: {  	[smem:$0x3FB9] =	sst s10  }
0x32: {  	s10 =	sld [smem:$0x3FB7];
	_ =	sdelay $0x3  }
0x33: {  	p0 =	seq.s32 s10, $0x1;
	s10 =	sld [smem:$0x3FB9];
	_ =	sdelay $0x3  }
0x34: {  	[smem:$0x3FB9] =	sst s10  }
0x35: {  	s10 =	sld [smem:$0x3FB8];
	_ =	sdelay $0x3  }
0x36: {  	p1 =	seq.s32 s10, $0x1;
	s10 =	sld [smem:$0x3FB9];
	_ =	sdelay $0x3  }
0x37: {  	[smem:$0x3FB9] =	sst s10  }
0x38: {  	s10 =	sld [smem:$0x3FBA]  }
0x39: {  	_ = 	snop;
	(pc) =	sbr.ind lr, $3  }
0x3a: {  	_ = 	snop  }
0x3b: {  	_ = 	snop  }
0x3c: {  	p2 =	seq.s32 s10, $0x1;
	s10 =	sld [smem:$0x3FB9]  }
0x3d: {  	_ =	shalt  }
0x3e: {  	_ =	shalt  }
0x3f: {  	_ =	shalt  }
0x40: {  	_ =	shalt  }
0x41: {  	_ =	shalt  }
0x42: {  	_ =	shalt  }
0x43: {  	_ =	shalt  }
0x44: {  	_ =	shalt  }
0x45: {  	_ =	shalt  }
0x46: {  	_ =	shalt  }
0x47: {  	_ =	shalt  }
0x48: {  	_ =	shalt  }
0x49: {  	_ =	shalt  }
0x4a: {  	_ =	shalt  }
0x4b: {  	_ =	shalt  }
0x4c: {  	_ =	shalt  }
0x4d: {  	_ =	shalt  }
0x4e: {  	_ =	shalt  }
0x4f: {  	_ =	shalt  }
0x50: {  	_ =	shalt  }
0x51: {  	_ =	shalt  }
0x52: {  	_ =	shalt  }
0x53: {  	_ =	shalt  }
0x54: {  	_ =	shalt  }
0x55: {  	_ =	shalt  }
0x56: {  	_ =	shalt  }
0x57: {  	_ =	shalt  }
0x58: {  	_ =	shalt  }
0x59: {  	_ =	shalt  }
0x5a: {  	_ =	shalt  }
0x5b: {  	_ =	shalt  }
0x5c: {  	_ =	shalt  }
0x5d: {  	_ =	shalt  }
0x5e: {  	_ =	shalt  }
0x5f: {  	_ =	shalt  }
0x60: {  	_ =	shalt  }
0x61: {  	_ =	shalt  }
0x62: {  	_ =	shalt  }
0x63: {  	_ =	shalt  }
0x64: {  	_ =	shalt  }
0x65: {  	_ =	shalt  }
0x66: {  	_ =	shalt  }
0x67: {  	_ =	shalt  }
0x68: {  	_ =	shalt  }
0x69: {  	_ =	shalt  }
0x6a: {  	_ =	shalt  }
0x6b: {  	_ =	shalt  }
0x6c: {  	_ =	shalt  }
0x6d: {  	_ =	shalt  }
0x6e: {  	_ =	shalt  }
0x6f: {  	_ =	shalt  }
0x70: {  	_ =	shalt  }
0x71: {  	_ =	shalt  }
0x72: {  	_ =	shalt  }
0x73: {  	_ =	shalt  }
0x74: {  	_ =	shalt  }
0x75: {  	_ =	shalt  }
0x76: {  	_ =	shalt  }
0x77: {  	_ =	shalt  }
0x78: {  	_ =	shalt  }
0x79: {  	_ =	shalt  }
0x7a: {  	_ =	shalt  }
0x7b: {  	_ =	shalt  }
0x7c: {  	_ =	shalt  }
0x7d: {  	_ =	shalt  }
0x7e: {  	_ =	shalt  }
0x7f: {  	_ =	shalt  }
0x80: {  	_ =	shalt  }
0x81: {  	_ =	shalt  }
0x82: {  	_ =	shalt  }
0x83: {  	_ =	shalt  }
0x84: {  	_ =	shalt  }
0x85: {  	_ =	shalt  }
0x86: {  	_ =	shalt  }
0x87: {  	_ =	shalt  }
.Lfunc_end0:
.L_simem_size_0:
called_computation_lowered:
.L_overlay_start_0:
0x88: {  	s2 =	sld [smem:$0x3FD9]  }
0x89: {  	s3 =	sld [smem:$0x3FFE];
	_ =	sdelay $0x1  }
0x8a: {  	s1 =	srdreg.scid  }
0x8b: {  	s0 =	sand.u32 $0x1, s1  }
0x8c: {  	s17 =	sshll.u32 s0, $0xA;
	s2 =	sadd.s32 s3, s2  }
0x8d: {  	s2 =	sadd.s32 s2, s17  }
0x8e: {  	[smem:$0x3FC5] =	sst s2  }
0x8f: {  	_ = 	snop  }
0x90: {  	s2 =	sld [smem:$0x3FC9]  }
0x91: {  	s18 =	sld [smem:$0x3FD0];
	(tm) =	ssettm $0x1  }
0x92: {  	s4 =	sld [smem:$0x3FFB];
	_ =	sdelay $0x3  }
0x93: {  	_ =	strace s4  }
0x94: {  	s4 =	sld [smem:$0x3FFC];
	_ =	sdelay $0x3  }
0x95: {  	_ =	strace s4  }
0x96: {  	s4 =	sld [smem:$0x3FFD];
	_ =	sdelay $0x3  }
0x97: {  	_ =	strace s4  }
0x98: {  	_ =	strace $0x8FFFFFFF  }
0x99: {  	s19 =	sld [smem:$0x3FDB];
	_ =	sdelay $0x1  }
0x9a: {  	s5 =	simm.s32 $_scs_section_size  }
0x9b: {  	s6 =	simm.s32 $_size__tile_overlayer_lowered;
	s7 =	simm.s32 $_tile_overlayer_lowered  }
0x9c: {  	s22 =	simm.s32 $0x1BFF;
	s21 =	sshll.u32 s7, $0x1;
	s4 =	sadd.s32 s5, s19  }
0x9d: {  	s8 =	simm.s32 $0x0;
	s20 =	sshll.u32 s6, $0x1;
	s6 =	sadd.s32 s21, s4  }
0x9e: {  	[timem:s8], [sflag:s22] =	dma.local [hbm:s6], s20  }
0x9f: {  	_ =	swait.ge [sflag:s22], s20  }
0xa0: {  	s5 =	ssub.s32 $0x0, s20;
	[sflag:s22] =	ssyncset.done $0x0  }
0xa1: {  	[sflag:s22] =	ssyncadd.s32 s5;
	_ =	sdelay $0x1  }
0xa2: {  	s23 =	simm.s32 $0x1B8B  }
0xa3: {  	_ =	swait.ge [sflag:s23], $0x1  }
0xa4: {  	[sflag:s23] =	ssyncset.done $0x0  }
0xa5: {  	s25 =	simm.s32 $0x1B8E;
	s24 =	sld [smem:$0x3FFE];
	[sflag:s23] =	ssyncadd.s32 $0xFFFFFFFF  }
0xa6: {  	s26 =	simm.s32 $execute0_lowered;
	[smem:$0x3FD2] =	sst s25  }
0xa7: {  	s6 =	sshll.u32 s26, $0x1;
	_ =	strace $0x80000046;
	[dreg:$0x1] =	wrdreg $0xFFFFFFFF  }
0xa8: {  	s28 =	simm.s32 $_size_execute0_lowered;
	s4 =	sadd.s32 s4, s6;
	[dreg:$0x0] =	wrdreg $0x0  }
0xa9: {  	s6 =	sshll.u32 s28, $0x1;
	[dreg:$0x2] =	wrdreg s4  }
0xaa: {  	[dreg:$0x3] =	wrdreg s6  }
0xab: {  	[dreg:$0x4] =	wrdreg $0xC0  }
0xac: {  	_ =	task [dreg:s8], $0x5FFFF  }
0xad: {  	[dreg:$0x1] =	wrdreg $0xFFFFFFFF  }
0xae: {  	[dreg:$0x0] =	wrdreg $0x60  }
0xaf: {  	[dreg:$0x2] =	wrdreg s2  }
0xb0: {  	[dreg:$0x3] =	wrdreg s24  }
0xb1: {  	[dreg:$0x4] =	wrdreg s18  }
0xb2: {  	[dreg:$0x5] =	wrdreg $0x9  }
0xb3: {  	_ =	task.clear_ibuf [dreg:s8], $0x6FFFF;
	_ =	strace $0x90000046  }
0xb4: {  	s29 =	simm.s32 $0x9;
	_ =	strace $0x80000048  }
0xb5: {  	_ =	swait.ge [sflag:s29], $0x1  }
0xb6: {  	[sflag:s29] =	ssyncadd.s32 $0xFFFFFFFF  }
0xb7: {  	_ =	strace $0x90000048  }
0xb8: {  	_ =	sfence  }
0xb9: {  	s30 =	sld [smem:$0x0];
	_ =	sdelay $0x2  }
0xba: {  	s31 =	sshll.u32 s1, $0xD;
	s1 =	sshrl.u32 s1, $0x2  }
0xbb: {  	s3 =	sand.u32 $0x4000, s31;
	s1 =	sadd.s32 s1, s30  }
0xbc: {  	s0 =	sor.u32 s3, s0;
	s1 =	sshll.u32 s1, $0x11  }
0xbd: {  	s0 =	sor.u32 s1, s0  }
0xbe: {  	s0 =	sadd.s32 $0x8F2B, s0  }
0xbf: {  	[sflag:s0] =	ssyncadd.remote.s32 $0x1  }
0xc0: {  	_ =	sfence.sel $0xFFFF  }
0xc1: {  	[dreg:$0x0] =	wrdreg $0xFFFFFFFF;
	(pc) =	sbr.abs _section_cstart, $3  }
0xc2: {  	[dreg:$0x1] =	wrdreg $0xFFFFFFFF  }
0xc3: {  	_ =	task.clear_ibuf [dreg:s8], $0x2FFFF;
	_ =	strace $0x9FFFFFFF  }
0xc4: {  	(tm) =	ssettm $0x7FFFFFFF  }
0xc5: {  	_ =	shalt  }
tec
execute0_lowered:
.L_overlay_start_1:
0x0: {  	(tag) =	ssettag $0x1  }
0x1: {  	v8 =	vlaneseq.u32  }
0x2: {  	vm0 =	vmmov $0xff;
	v2 =	vimm.s32 $0xB80;
	vm15 =	vcmask $0x300  }
0x3: {  	vm14 =	vcmask $0x704;
	v3 =	vimm.s32 $0x1B80;
	vm13 =	vcmask $0xB08  }
0x4: {  	vm12 =	vcmask $0xF0C;
	vm11 =	vcmask $0x1310;
	vm10 =	vcmask $0x1714  }
0x5: {  	vm9 =	vcmask $0x1B18;
	vm8 =	vcmask $0x1F1C;
	vm7 =	vcmask $0x2320  }
0x6: {  	vm6 =	vcmask $0x2724;
	vm5 =	vcmask $0x2B28;
	vm4 =	vcmask $0x2F2C  }
0x7: {  	vm3 =	vcmask $0x3330;
	vm1 =	vcmask $0x3734;
	vm2 =	vcmask $0x3B38  }
0x8: {  	v6 =	vimm.s32 $0x2B80;
	v7 =	vimm.s32 $0x4B80;
	v9 =	vimm.s32 $0x5B80  }
0x9: {  	v10 =	vimm.s32 $0x6B80;
	v11 =	vimm.s32 $0x7B80;
	v1 =	vshrl.u32 v8, $0x3  }
0xa: {  	v0 =	vand.u32 $0x7, v8;
	v2 =	vsel vm15, $0x0, v2;
	v3 =	vsel vm15, $0x1000, v3  }
0xb: {  	v7 =	vsel vm15, $0x4000, v7;
	v9 =	vsel vm15, $0x5000, v9;
	v10 =	vsel vm15, $0x6000, v10  }
0xc: {  	v11 =	vsel vm15, $0x7000, v11;
	v14 =	vmul.u32 $0x80, v8;
	v1 =	vmul.u32 $0x8, v1  }
0xd: {  	v2 =	vsel vm14, $0x80, v2;
	v3 =	vsel vm14, $0x1080, v3;
	v7 =	vsel vm14, $0x4080, v7  }
0xe: {  	v9 =	vsel vm14, $0x5080, v9;
	v10 =	vsel vm14, $0x6080, v10;
	v11 =	vsel vm14, $0x7080, v11  }
0xf: {  	v2 =	vsel vm13, $0x100, v2;
	v3 =	vsel vm13, $0x1100, v3;
	v7 =	vsel vm13, $0x4100, v7  }
0x10: {  	v9 =	vsel vm13, $0x5100, v9;
	v10 =	vsel vm13, $0x6100, v10;
	v11 =	vsel vm13, $0x7100, v11  }
0x11: {  	v12 =	vor.u32 $0x2800, v14;
	v13 =	vor.u32 $0x3000, v14;
	v2 =	vsel vm12, $0x180, v2  }
0x12: {  	v3 =	vsel vm12, $0x1180, v3;
	v7 =	vsel vm12, $0x4180, v7;
	v9 =	vsel vm12, $0x5180, v9  }
0x13: {  	v10 =	vsel vm12, $0x6180, v10;
	v11 =	vsel vm12, $0x7180, v11;
	v2 =	vsel vm11, $0x200, v2  }
0x14: {  	v3 =	vsel vm11, $0x1200, v3;
	v7 =	vsel vm11, $0x4200, v7;
	v9 =	vsel vm11, $0x5200, v9  }
0x15: {  	v10 =	vsel vm11, $0x6200, v10;
	v11 =	vsel vm11, $0x7200, v11;
	v2 =	vsel vm10, $0x280, v2  }
0x16: {  	v3 =	vsel vm10, $0x1280, v3;
	v7 =	vsel vm10, $0x4280, v7;
	v9 =	vsel vm10, $0x5280, v9  }
0x17: {  	v10 =	vsel vm10, $0x6280, v10;
	v11 =	vsel vm10, $0x7280, v11;
	v2 =	vsel vm9, $0x300, v2  }
0x18: {  	v3 =	vsel vm9, $0x1300, v3;
	v7 =	vsel vm9, $0x4300, v7;
	v9 =	vsel vm9, $0x5300, v9  }
0x19: {  	v10 =	vsel vm9, $0x6300, v10;
	v11 =	vsel vm9, $0x7300, v11;
	v2 =	vsel vm8, $0x380, v2  }
0x1a: {  	v3 =	vsel vm8, $0x1380, v3;
	v7 =	vsel vm8, $0x4380, v7;
	v9 =	vsel vm8, $0x5380, v9  }
0x1b: {  	v10 =	vsel vm8, $0x6380, v10;
	v11 =	vsel vm8, $0x7380, v11;
	v2 =	vsel vm7, $0x800, v2  }
0x1c: {  	v3 =	vsel vm7, $0x1800, v3;
	v7 =	vsel vm7, $0x4800, v7;
	v9 =	vsel vm7, $0x5800, v9  }
0x1d: {  	v10 =	vsel vm7, $0x6800, v10;
	v11 =	vsel vm7, $0x7800, v11;
	v2 =	vsel vm6, $0x880, v2  }
0x1e: {  	v3 =	vsel vm6, $0x1880, v3;
	v7 =	vsel vm6, $0x4880, v7;
	v9 =	vsel vm6, $0x5880, v9  }
0x1f: {  	v10 =	vsel vm6, $0x6880, v10;
	v11 =	vsel vm6, $0x7880, v11;
	v2 =	vsel vm5, $0x900, v2  }
0x20: {  	v3 =	vsel vm5, $0x1900, v3;
	v7 =	vsel vm5, $0x4900, v7;
	v9 =	vsel vm5, $0x5900, v9  }
0x21: {  	v10 =	vsel vm5, $0x6900, v10;
	v11 =	vsel vm5, $0x7900, v11;
	v2 =	vsel vm4, $0x980, v2  }
0x22: {  	v3 =	vsel vm4, $0x1980, v3;
	v7 =	vsel vm4, $0x4980, v7;
	v4 =	vsel vm3, $0xA00, v2  }
0x23: {  	v9 =	vsel vm4, $0x5980, v9;
	v3 =	vsel vm3, $0x1A00, v3;
	v4 =	vsel vm1, $0xA80, v4  }
0x24: {  	v10 =	vsel vm4, $0x6980, v10;
	v5 =	vsel vm1, $0x1A80, v3;
	v3 =	vsel vm2, $0xB00, v4  }
0x25: {  	v4 =	vsel vm2, $0x1B00, v5;
	v5 =	vsel vm15, $0x2000, v6;
	v6 =	vimm.s32 $0x3B80  }
0x26: {  	v11 =	vsel vm4, $0x7980, v11;
	v2 =	vor.u32 $0x8, v8;
	v6 =	vsel vm15, $0x3000, v6  }
0x27: {  	v7 =	vsel vm3, $0x4A00, v7;
	v5 =	vsel vm14, $0x2080, v5;
	v6 =	vsel vm14, $0x3080, v6  }
0x28: {  	v9 =	vsel vm3, $0x5A00, v9;
	v5 =	vsel vm13, $0x2100, v5;
	v6 =	vsel vm13, $0x3100, v6  }
0x29: {  	s0 =	rddreg [dreg:$0x0];
	v10 =	vsel vm3, $0x6A00, v10;
	v5 =	vsel vm12, $0x2180, v5;
	v6 =	vsel vm12, $0x3180, v6  }
0x2a: {  	s1 =	rddreg [dreg:$0x1];
	v11 =	vsel vm3, $0x7A00, v11;
	v5 =	vsel vm11, $0x2200, v5;
	v6 =	vsel vm11, $0x3200, v6  }
0x2b: {  	s2 =	srdreg.scid;
	s4 =	stileid.u32;
	v7 =	vsel vm1, $0x4A80, v7;
	v5 =	vsel vm10, $0x2280, v5;
	v6 =	vsel vm10, $0x3280, v6  }
0x2c: {  	s3 =	simm.s32 $0x0;
	s10 =	simm.s32 $0x8000;
	s13 =	simm.s32 $0x1C00;
	v9 =	vsel vm1, $0x5A80, v9;
	v5 =	vsel vm9, $0x2300, v5;
	v6 =	vsel vm9, $0x3300, v6  }
0x2d: {  	s30 =	simm.s32 $0x1;
	s31 =	simm.s32 $0x9C00;
	s2 =	sand.u32 $0x1, s2;
	v7 =	vsel vm2, $0x4B00, v7;
	v5 =	vsel vm8, $0x2380, v5;
	v6 =	vsel vm8, $0x3380, v6  }
0x2e: {  	s28 =	simm.s32 $0x2;
	s4 =	sshll.u32 s4, $0xB;
	s5 =	sshll.u32 s2, $0xA;
	v8 =	vsel vm2, $0x5B00, v9;
	v5 =	vsel vm7, $0x2800, v5;
	v6 =	vsel vm7, $0x3800, v6  }
0x2f: {  	s29 =	simm.s32 $0x15C00;
	s2 =	ssub.s32 $0x2, s2;
	s4 =	sor.u32 s5, s4;
	v9 =	vsel vm1, $0x6A80, v10;
	v5 =	vsel vm6, $0x2880, v5;
	v6 =	vsel vm6, $0x3880, v6  }
0x30: {  	s8 =	simm.s32 $0x4;
	s6 =	sshrl.u32 s2, $0x1;
	s7 =	sshrl.u32 s4, $0x3;
	v10 =	vsel vm1, $0x7A80, v11;
	v5 =	vsel vm5, $0x2900, v5;
	v6 =	vsel vm5, $0x3900, v6  }
0x31: {  	[smem:$0x7FF] =	sst s3;
	s25 =	ssub.s32 s2, s6;
	s0 =	sadd.s32 s0, s7;
	v11 =	vor.u32 $0x2000, v14;
	v5 =	vsel vm4, $0x2980, v5;
	v6 =	vsel vm4, $0x3980, v6  }
0x32: {  	_ =	strace $0x80000047;
	s26 =	smax.u32 s25, $0x1;
	[dreg:$0x4] =	wrdreg s0;
	v14 =	vor.u32 $0x3800, v14;
	v5 =	vsel vm3, $0x2A00, v5;
	v6 =	vsel vm3, $0x3A00, v6  }
0x33: {  	s5 =	sadd.s32 $0x600, s1;
	s0 =	sadd.s32 $0x6000, s0;
	[dreg:$0x6] =	wrdreg s26;
	v9 =	vsel vm2, $0x6B00, v9;
	v5 =	vsel vm1, $0x2A80, v5;
	v6 =	vsel vm1, $0x3A80, v6  }
0x34: {  	s1 =	simm.s32 $0x0;
	s26 =	simm.s32 $0x11C00;
	[dreg:$0x5] =	wrdreg s0;
	v10 =	vsel vm2, $0x7B00, v10;
	v5 =	vsel vm2, $0x2B00, v5;
	v6 =	vsel vm2, $0x3B00, v6  }
.LBB2_1:
0x35: {  	[dreg:$0x7] =	wrdreg s1  }
0x36: {  	s0 =	rddreg [dreg:$0x4];
	s25 =	simm.s32 $0x400  }
0x37: {  	[tilespmem:s3], [sflag:$0x5] =	stream.strided.gather [hbm4b:s0+s25], $0x1800, s10, s25, $0x38;
	[tilespmem:$0x19C00] =	vst v63  }
0x38: {  	s2 =	rddreg [dreg:$0x5];
	s6 =	simm.s32 $0x1800;
	s7 =	simm.s32 $0x5  }
0x39: {  	[tilespmem:s6], [sflag:$0x5] =	stream.linear.gather [hbm4b:s2+s3], $0x100, $0x38;
	[tilespmem:$0x19C00] =	vst v63  }
0x3a: {  	_ =	swait.ge [sflag:s7], $0x1900  }
0x3b: {  	[sflag:s7] =	ssyncset.done $0x0  }
0x3c: {  	[sflag:s7] =	ssyncadd.s32 $0xFFFFE700  }
0x3d: {  	v15 =	vld [tilespmem:$0x0];
	_ =	sdelay $0x4  }
0x3e: {  	v16 =	vperm.xlane v15, v0;
	_ =	sdelay $0x1  }
0x3f: {  	v15 =	vperm.xlane v15, v2;
	v16 =	vadd.s32 v1, v16;
	_ =	sdelay $0x1  }
0x40: {  	v15 =	vadd.s32 v1, v15;
	_ =	sdelay $0x2  }
0x41: {  	[tilespmem:s13], [sflag:$0x1] =	stream.indirect_vreg.gather [hbm4b:s5+s3], $0x80, v16, vm0, $0xb8;
	[tilespmem:$0x19C00] =	vst v63  }
0x42: {  	s9 =	simm.s32 $0x2400  }
0x43: {  	[tilespmem:s9], [sflag:$0x1] =	stream.indirect_vreg.gather [hbm4b:s5+s3], $0x80, v15, vm0, $0xb8;
	[tilespmem:$0x19C00] =	vst v63  }
0x44: {  	v15 =	vld [tilespmem:$0x10];
	_ =	sdelay $0x4  }
0x45: {  	v57 =	vperm.xlane v15, v0;
	_ =	sdelay $0x1  }
0x46: {  	v15 =	vperm.xlane v15, v2;
	v16 =	vadd.s32 v1, v57;
	_ =	sdelay $0x1  }
0x47: {  	v15 =	vadd.s32 v1, v15;
	_ =	sdelay $0x1  }
0x48: {  	s11 =	simm.s32 $0x2C00  }
0x49: {  	[tilespmem:s11], [sflag:$0x1] =	stream.indirect_vreg.gather [hbm4b:s5+s3], $0x80, v16, vm0, $0xb8;
	[tilespmem:$0x19C00] =	vst v63  }
0x4a: {  	s12 =	simm.s32 $0x3400  }
0x4b: {  	[tilespmem:s12], [sflag:$0x1] =	stream.indirect_vreg.gather [hbm4b:s5+s3], $0x80, v15, vm0, $0xb8;
	[tilespmem:$0x19C00] =	vst v63  }
0x4c: {  	v15 =	vld [tilespmem:$0x20];
	_ =	sdelay $0x4  }
0x4d: {  	v58 =	vperm.xlane v15, v0;
	_ =	sdelay $0x1  }
0x4e: {  	v15 =	vperm.xlane v15, v2;
	v16 =	vadd.s32 v1, v58;
	_ =	sdelay $0x1  }
0x4f: {  	v15 =	vadd.s32 v1, v15;
	_ =	sdelay $0x1  }
0x50: {  	s14 =	simm.s32 $0x3C00  }
0x51: {  	[tilespmem:s14], [sflag:$0x1] =	stream.indirect_vreg.gather [hbm4b:s5+s3], $0x80, v16, vm0, $0xb8;
	[tilespmem:$0x19C00] =	vst v63  }
0x52: {  	s15 =	simm.s32 $0x4400  }
0x53: {  	[tilespmem:s15], [sflag:$0x1] =	stream.indirect_vreg.gather [hbm4b:s5+s3], $0x80, v15, vm0, $0xb8;
	[tilespmem:$0x19C00] =	vst v63  }
0x54: {  	v15 =	vld [tilespmem:$0x30];
	_ =	sdelay $0x4  }
0x55: {  	v59 =	vperm.xlane v15, v0;
	_ =	sdelay $0x1  }
0x56: {  	v15 =	vperm.xlane v15, v2;
	v16 =	vadd.s32 v1, v59;
	_ =	sdelay $0x1  }
0x57: {  	v15 =	vadd.s32 v1, v15;
	_ =	sdelay $0x1  }
0x58: {  	s16 =	simm.s32 $0x4C00  }
0x59: {  	[tilespmem:s16], [sflag:$0x1] =	stream.indirect_vreg.gather [hbm4b:s5+s3], $0x80, v16, vm0, $0xb8;
	[tilespmem:$0x19C00] =	vst v63  }
0x5a: {  	s17 =	simm.s32 $0x5400  }
0x5b: {  	[tilespmem:s17], [sflag:$0x1] =	stream.indirect_vreg.gather [hbm4b:s5+s3], $0x80, v15, vm0, $0xb8;
	[tilespmem:$0x19C00] =	vst v63  }
0x5c: {  	v15 =	vld [tilespmem:$0x40];
	_ =	sdelay $0x4  }
0x5d: {  	v60 =	vperm.xlane v15, v0;
	_ =	sdelay $0x1  }
0x5e: {  	v15 =	vperm.xlane v15, v2;
	v16 =	vadd.s32 v1, v60;
	_ =	sdelay $0x1  }
0x5f: {  	v15 =	vadd.s32 v1, v15;
	_ =	sdelay $0x1  }
0x60: {  	s18 =	simm.s32 $0x5C00  }
0x61: {  	[tilespmem:s18], [sflag:$0x1] =	stream.indirect_vreg.gather [hbm4b:s5+s3], $0x80, v16, vm0, $0xb8;
	[tilespmem:$0x19C00] =	vst v63  }
0x62: {  	s19 =	simm.s32 $0x6400  }
0x63: {  	[tilespmem:s19], [sflag:$0x1] =	stream.indirect_vreg.gather [hbm4b:s5+s3], $0x80, v15, vm0, $0xb8;
	[tilespmem:$0x19C00] =	vst v63  }
0x64: {  	v15 =	vld [tilespmem:$0x50];
	_ =	sdelay $0x4  }
0x65: {  	v61 =	vperm.xlane v15, v0;
	_ =	sdelay $0x1  }
0x66: {  	v15 =	vperm.xlane v15, v2;
	v16 =	vadd.s32 v1, v61;
	_ =	sdelay $0x1  }
0x67: {  	v15 =	vadd.s32 v1, v15;
	_ =	sdelay $0x1  }
0x68: {  	s20 =	simm.s32 $0x6C00  }
0x69: {  	[tilespmem:s20], [sflag:$0x1] =	stream.indirect_vreg.gather [hbm4b:s5+s3], $0x80, v16, vm0, $0xb8;
	[tilespmem:$0x19C00] =	vst v63  }
0x6a: {  	s21 =	simm.s32 $0x7400  }
0x6b: {  	[tilespmem:s21], [sflag:$0x1] =	stream.indirect_vreg.gather [hbm4b:s5+s3], $0x80, v15, vm0, $0xb8;
	[tilespmem:$0x19C00] =	vst v63  }
0x6c: {  	v15 =	vld [tilespmem:$0x60];
	_ =	sdelay $0x4  }
0x6d: {  	v62 =	vperm.xlane v15, v0;
	_ =	sdelay $0x1  }
0x6e: {  	v15 =	vperm.xlane v15, v2;
	v16 =	vadd.s32 v1, v62;
	_ =	sdelay $0x1  }
0x6f: {  	v15 =	vadd.s32 v1, v15;
	_ =	sdelay $0x1  }
0x70: {  	s22 =	simm.s32 $0x7C00  }
0x71: {  	[tilespmem:s22], [sflag:$0x1] =	stream.indirect_vreg.gather [hbm4b:s5+s3], $0x80, v16, vm0, $0xb8;
	[tilespmem:$0x19C00] =	vst v63  }
0x72: {  	s23 =	simm.s32 $0x8400  }
0x73: {  	[tilespmem:s23], [sflag:$0x1] =	stream.indirect_vreg.gather [hbm4b:s5+s3], $0x80, v15, vm0, $0xb8;
	[tilespmem:$0x19C00] =	vst v63  }
0x74: {  	v15 =	vld [tilespmem:$0x70];
	_ =	sdelay $0x4  }
0x75: {  	v63 =	vperm.xlane v15, v0;
	_ =	sdelay $0x1  }
0x76: {  	v15 =	vperm.xlane v15, v2;
	v16 =	vadd.s32 v1, v63;
	_ =	sdelay $0x1  }
0x77: {  	v15 =	vadd.s32 v1, v15;
	_ =	sdelay $0x1  }
0x78: {  	s24 =	simm.s32 $0x8C00  }
0x79: {  	[tilespmem:s24], [sflag:$0x1] =	stream.indirect_vreg.gather [hbm4b:s5+s3], $0x80, v16, vm0, $0xb8;
	[tilespmem:$0x19C00] =	vst v63  }
0x7a: {  	s25 =	simm.s32 $0x9400;
	s12 =	simm.s32 $0x0  }
0x7b: {  	[tilespmem:s25], [sflag:$0x1] =	stream.indirect_vreg.gather [hbm4b:s5+s3], $0x80, v15, vm0, $0xb8;
	[tilespmem:$0x19C00] =	vst v63  }
.LBB2_2:
0x7c: {  	_ =	swait.ge [sflag:s30], $0x4000;
	s7 =	sshllo.u32 s12, $0x1  }
0x7d: {  	[sflag:s30] =	ssyncset.done $0x0;
	s0 =	sshll.u32 s7, $0x7  }
0x7e: {  	[sflag:s30] =	ssyncadd.s32 $0xFFFFC000;
	s0 =	sand.u32 $0x3FFFFF80, s0  }
0x7f: {  	v15 =	vld [tilespmem:s0+$0x0];
	_ =	sdelay $0x4  }
0x80: {  	v16 =	vperm.xlane v15, v0;
	_ =	sdelay $0x1  }
0x81: {  	v15 =	vperm.xlane v15, v2;
	v16 =	vadd.s32 v1, v16;
	_ =	sdelay $0x1  }
0x82: {  	v15 =	vadd.s32 v1, v15;
	_ =	sdelay $0x2  }
0x83: {  	[tilespmem:s31], [sflag:$0x2] =	stream.indirect_vreg.gather [hbm4b:s5+s3], $0x80, v16, vm0, $0xb8;
	[tilespmem:$0x19C00] =	vst v63  }
0x84: {  	s1 =	simm.s32 $0xA400  }
0x85: {  	[tilespmem:s1], [sflag:$0x2] =	stream.indirect_vreg.gather [hbm4b:s5+s3], $0x80, v15, vm0, $0xb8;
	[tilespmem:$0x19C00] =	vst v63  }
0x86: {  	v15 =	vld [tilespmem:s0+$0x10];
	_ =	sdelay $0x4  }
0x87: {  	v16 =	vperm.xlane v15, v0;
	_ =	sdelay $0x1  }
0x88: {  	v15 =	vperm.xlane v15, v2;
	v16 =	vadd.s32 v1, v16;
	_ =	sdelay $0x1  }
0x89: {  	v15 =	vadd.s32 v1, v15;
	_ =	sdelay $0x1  }
0x8a: {  	s2 =	simm.s32 $0xAC00  }
0x8b: {  	[tilespmem:s2], [sflag:$0x2] =	stream.indirect_vreg.gather [hbm4b:s5+s3], $0x80, v16, vm0, $0xb8;
	[tilespmem:$0x19C00] =	vst v63  }
0x8c: {  	s6 =	simm.s32 $0xB400  }
0x8d: {  	[tilespmem:s6], [sflag:$0x2] =	stream.indirect_vreg.gather [hbm4b:s5+s3], $0x80, v15, vm0, $0xb8;
	[tilespmem:$0x19C00] =	vst v63  }
0x8e: {  	v15 =	vld [tilespmem:s0+$0x20];
	_ =	sdelay $0x4  }
0x8f: {  	v16 =	vperm.xlane v15, v0;
	_ =	sdelay $0x1  }
0x90: {  	v15 =	vperm.xlane v15, v2;
	v16 =	vadd.s32 v1, v16;
	_ =	sdelay $0x1  }
0x91: {  	v15 =	vadd.s32 v1, v15;
	_ =	sdelay $0x1  }
0x92: {  	s9 =	simm.s32 $0xBC00  }
0x93: {  	[tilespmem:s9], [sflag:$0x2] =	stream.indirect_vreg.gather [hbm4b:s5+s3], $0x80, v16, vm0, $0xb8;
	[tilespmem:$0x19C00] =	vst v63  }
0x94: {  	s11 =	simm.s32 $0xC400  }
0x95: {  	[tilespmem:s11], [sflag:$0x2] =	stream.indirect_vreg.gather [hbm4b:s5+s3], $0x80, v15, vm0, $0xb8;
	[tilespmem:$0x19C00] =	vst v63  }
0x96: {  	v15 =	vld [tilespmem:s0+$0x30];
	_ =	sdelay $0x4  }
0x97: {  	v16 =	vperm.xlane v15, v0;
	_ =	sdelay $0x1  }
0x98: {  	v15 =	vperm.xlane v15, v2;
	v16 =	vadd.s32 v1, v16;
	_ =	sdelay $0x1  }
0x99: {  	v15 =	vadd.s32 v1, v15;
	_ =	sdelay $0x1  }
0x9a: {  	s14 =	simm.s32 $0xCC00  }
0x9b: {  	[tilespmem:s14], [sflag:$0x2] =	stream.indirect_vreg.gather [hbm4b:s5+s3], $0x80, v16, vm0, $0xb8;
	[tilespmem:$0x19C00] =	vst v63  }
0x9c: {  	s15 =	simm.s32 $0xD400  }
0x9d: {  	[tilespmem:s15], [sflag:$0x2] =	stream.indirect_vreg.gather [hbm4b:s5+s3], $0x80, v15, vm0, $0xb8;
	[tilespmem:$0x19C00] =	vst v63  }
0x9e: {  	v15 =	vld [tilespmem:s0+$0x40];
	_ =	sdelay $0x4  }
0x9f: {  	v16 =	vperm.xlane v15, v0;
	_ =	sdelay $0x1  }
0xa0: {  	v15 =	vperm.xlane v15, v2;
	v16 =	vadd.s32 v1, v16;
	_ =	sdelay $0x1  }
0xa1: {  	v15 =	vadd.s32 v1, v15;
	_ =	sdelay $0x1  }
0xa2: {  	s16 =	simm.s32 $0xDC00  }
0xa3: {  	[tilespmem:s16], [sflag:$0x2] =	stream.indirect_vreg.gather [hbm4b:s5+s3], $0x80, v16, vm0, $0xb8;
	[tilespmem:$0x19C00] =	vst v63  }
0xa4: {  	s17 =	simm.s32 $0xE400  }
0xa5: {  	[tilespmem:s17], [sflag:$0x2] =	stream.indirect_vreg.gather [hbm4b:s5+s3], $0x80, v15, vm0, $0xb8;
	[tilespmem:$0x19C00] =	vst v63  }
0xa6: {  	v15 =	vld [tilespmem:s0+$0x50];
	_ =	sdelay $0x4  }
0xa7: {  	v16 =	vperm.xlane v15, v0;
	_ =	sdelay $0x1  }
0xa8: {  	v15 =	vperm.xlane v15, v2;
	v16 =	vadd.s32 v1, v16;
	_ =	sdelay $0x1  }
0xa9: {  	v15 =	vadd.s32 v1, v15;
	_ =	sdelay $0x1  }
0xaa: {  	s18 =	simm.s32 $0xEC00  }
0xab: {  	[tilespmem:s18], [sflag:$0x2] =	stream.indirect_vreg.gather [hbm4b:s5+s3], $0x80, v16, vm0, $0xb8;
	[tilespmem:$0x19C00] =	vst v63  }
0xac: {  	s19 =	simm.s32 $0xF400  }
0xad: {  	[tilespmem:s19], [sflag:$0x2] =	stream.indirect_vreg.gather [hbm4b:s5+s3], $0x80, v15, vm0, $0xb8;
	[tilespmem:$0x19C00] =	vst v63  }
0xae: {  	v15 =	vld [tilespmem:s0+$0x60];
	_ =	sdelay $0x4  }
0xaf: {  	v16 =	vperm.xlane v15, v0;
	_ =	sdelay $0x1  }
0xb0: {  	v15 =	vperm.xlane v15, v2;
	v16 =	vadd.s32 v1, v16;
	_ =	sdelay $0x1  }
0xb1: {  	v15 =	vadd.s32 v1, v15;
	_ =	sdelay $0x1  }
0xb2: {  	s20 =	simm.s32 $0xFC00  }
0xb3: {  	[tilespmem:s20], [sflag:$0x2] =	stream.indirect_vreg.gather [hbm4b:s5+s3], $0x80, v16, vm0, $0xb8;
	[tilespmem:$0x19C00] =	vst v63  }
0xb4: {  	s21 =	simm.s32 $0x10400  }
0xb5: {  	[tilespmem:s21], [sflag:$0x2] =	stream.indirect_vreg.gather [hbm4b:s5+s3], $0x80, v15, vm0, $0xb8;
	[tilespmem:$0x19C00] =	vst v63  }
0xb6: {  	v15 =	vld [tilespmem:s0+$0x70];
	_ =	sdelay $0x4  }
0xb7: {  	v16 =	vperm.xlane v15, v0;
	_ =	sdelay $0x1  }
0xb8: {  	v15 =	vperm.xlane v15, v2;
	v16 =	vadd.s32 v1, v16;
	_ =	sdelay $0x1  }
0xb9: {  	v15 =	vadd.s32 v1, v15;
	_ =	sdelay $0x1  }
0xba: {  	s22 =	simm.s32 $0x10C00  }
0xbb: {  	[tilespmem:s22], [sflag:$0x2] =	stream.indirect_vreg.gather [hbm4b:s5+s3], $0x80, v16, vm0, $0xb8;
	[tilespmem:$0x19C00] =	vst v63  }
0xbc: {  	s23 =	simm.s32 $0x11400;
	p0 =	seq.s32 s12, $0x0;
	s11 =	simm.s32 $0x1  }
0xbd: {  	[tilespmem:s23], [sflag:$0x2] =	stream.indirect_vreg.gather [hbm4b:s5+s3], $0x80, v15, vm0, $0xb8;
	v15 =	vor.u32 s11, v3;
	[tilespmem:$0x19C00] =	vst v63  }
0xbe: {  	s0 =	simm.s32 @!p0 $0x3  }
0xbf: {  	_ =	swait.ge @!p0 [sflag:s0], $0x4000  }
0xc0: {  	[sflag:s0] =	ssyncset.done @!p0 $0x0  }
0xc1: {  	s24 =	simm.s32 $0x0;
	[sflag:s0] =	ssyncadd.s32 @!p0 $0xFFFFC000  }
0xc2: {  	v16 =	vor.u32 s24, v3;
	v15 =	vld.idx.msk [tilespmem:v15+s13+$0x0], $0xffff  }
0xc3: {  	v17 =	vor.u32 s11, v4;
	_ =	sdelay $0x2  }
0xc4: {  	s2 =	simm.s32 $0x0  }
0xc5: {  	v16 =	vld.idx.msk [tilespmem:v16+s13+$0x0], $0xffff;
	[tilespmem:s2+$0x11C80] =	vst v15  }
0xc6: {  	v15 =	vor.u32 s24, v4;
	v17 =	vld.idx.msk [tilespmem:v17+s13+$0x0], $0xffff  }
0xc7: {  	v18 =	vor.u32 s11, v5;
	_ =	sdelay $0x2  }
0xc8: {  	[tilespmem:s2+$0x11C00] =	vst v16  }
0xc9: {  	v15 =	vld.idx.msk [tilespmem:v15+s13+$0x0], $0xffff;
	[tilespmem:s2+$0x11C90] =	vst v17  }
0xca: {  	v16 =	vor.u32 s24, v5;
	v17 =	vld.idx.msk [tilespmem:v18+s13+$0x0], $0xffff  }
0xcb: {  	v18 =	vor.u32 s11, v6;
	_ =	sdelay $0x2  }
0xcc: {  	[tilespmem:s2+$0x11C10] =	vst v15  }
0xcd: {  	v15 =	vld.idx.msk [tilespmem:v16+s13+$0x0], $0xffff;
	[tilespmem:s2+$0x11CA0] =	vst v17  }
0xce: {  	v16 =	vor.u32 s24, v6;
	v17 =	vld.idx.msk [tilespmem:v18+s13+$0x0], $0xffff  }
0xcf: {  	v18 =	vor.u32 s11, v7;
	_ =	sdelay $0x2  }
0xd0: {  	[tilespmem:s2+$0x11C20] =	vst v15  }
0xd1: {  	v15 =	vld.idx.msk [tilespmem:v16+s13+$0x0], $0xffff;
	[tilespmem:s2+$0x11CB0] =	vst v17  }
0xd2: {  	v16 =	vor.u32 s24, v7;
	v17 =	vld.idx.msk [tilespmem:v18+s13+$0x0], $0xffff  }
0xd3: {  	s25 =	simm.s32 $0x3;
	v18 =	vor.u32 s11, v8  }
0xd4: {  	v19 =	vor.u32 s25, v3;
	s16 =	simm.s32 $0x2  }
0xd5: {  	v20 =	vor.u32 s16, v3  }
0xd6: {  	[tilespmem:s2+$0x11C30] =	vst v15  }
0xd7: {  	v15 =	vld.idx.msk [tilespmem:v16+s13+$0x0], $0xffff;
	[tilespmem:s2+$0x11CC0] =	vst v17  }
0xd8: {  	v16 =	vor.u32 s24, v8;
	v17 =	vld.idx.msk [tilespmem:v18+s13+$0x0], $0xffff  }
0xd9: {  	v18 =	vld.idx.msk [tilespmem:v19+s13+$0x0], $0xffff;
	v19 =	vor.u32 s11, v9  }
0xda: {  	v21 =	vor.u32 s25, v4;
	v20 =	vld.idx.msk [tilespmem:v20+s13+$0x0], $0xffff  }
0xdb: {  	v22 =	vor.u32 s16, v4  }
0xdc: {  	[tilespmem:s2+$0x11C40] =	vst v15  }
0xdd: {  	s14 =	simm.s32 $0x100;
	v15 =	vld.idx.msk [tilespmem:v16+s13+$0x0], $0xffff;
	[tilespmem:s2+$0x11CD0] =	vst v17  }
0xde: {  	v16 =	vor.u32 s24, v9;
	[tilespmem:s14+$0x11C80] =	vst v18;
	v17 =	vld.idx.msk [tilespmem:v19+s13+$0x0], $0xffff  }
0xdf: {  	[tilespmem:s14+$0x11C00] =	vst v20;
	v18 =	vld.idx.msk [tilespmem:v21+s13+$0x0], $0xffff;
	v19 =	vor.u32 s11, v10  }
0xe0: {  	v20 =	vld.idx.msk [tilespmem:v22+s13+$0x0], $0xffff;
	v21 =	vor.u32 s25, v5  }
0xe1: {  	v22 =	vor.u32 s16, v5  }
0xe2: {  	[tilespmem:s2+$0x11C50] =	vst v15  }
0xe3: {  	v15 =	vld.idx.msk [tilespmem:v16+s13+$0x0], $0xffff;
	[tilespmem:s2+$0x11CE0] =	vst v17  }
0xe4: {  	v16 =	vor.u32 s24, v10;
	[tilespmem:s14+$0x11C90] =	vst v18;
	v17 =	vld.idx.msk [tilespmem:v19+s13+$0x0], $0xffff  }
0xe5: {  	[tilespmem:s14+$0x11C10] =	vst v20;
	v18 =	vld.idx.msk [tilespmem:v21+s13+$0x0], $0xffff  }
0xe6: {  	v20 =	vor.u32 s25, v6;
	v19 =	vld.idx.msk [tilespmem:v22+s13+$0x0], $0xffff;
	v21 =	vmov s16  }
0xe7: {  	s6 =	simm.s32 $0x100;
	s9 =	sand.u32 $0x7800, s24;
	v22 =	vor.u32 s16, v6;
	v21 =	vand.u32 $0x7E, v21  }
0xe8: {  	s6 =	sand.u32 $0x300, s6;
	s17 =	sadd.s32 $0x1C00, s9;
	[tilespmem:s2+$0x11C60] =	vst v15;
	v15 =	vbroadcast v21, $0x0  }
0xe9: {  	s9 =	sor.u32 s6, s17;
	v16 =	vld.idx.msk [tilespmem:v16+s13+$0x0], $0xffff;
	[tilespmem:s2+$0x11CF0] =	vst v17  }
0xea: {  	[tilespmem:s14+$0x11CA0] =	vst v18;
	v18 =	vor.u32 v11, v15;
	v17 =	vld [tilespmem:s9+$0x40]  }
0xeb: {  	[tilespmem:s14+$0x11C20] =	vst v19;
	v19 =	vld.idx.msk [tilespmem:v20+s13+$0x0], $0xffff;
	v20 =	vmov s24  }
0xec: {  	s18 =	simm.s32 $0x0;
	v21 =	vld.idx.msk [tilespmem:v22+s13+$0x0], $0xffff;
	v22 =	vor.u32 s25, v7;
	v20 =	vand.u32 $0x7C, v20  }
0xed: {  	s15 =	simm.s32 $0x5;
	v23 =	vor.u32 s16, v7;
	s19 =	sand.u32 $0x200, s18;
	v20 =	vbroadcast v20, $0x0  }
0xee: {  	v24 =	vor.u32 s15, v3;
	s18 =	sor.u32 s19, s17;
	s0 =	simm.s32 $0x4;
	[tilespmem:s2+$0x11C70] =	vst v16  }
0xef: {  	v16 =	vor.u32 s0, v3;
	v25 =	vor.u32 v11, v20;
	v26 =	vld [tilespmem:s18+$0x40];
	[tilespmem:v18+s26+$0x0] =	vst.idx.msk $0xffff, v17  }
0xf0: {  	[tilespmem:s14+$0x11CB0] =	vst v19;
	v18 =	vor.u32 v12, v15;
	v17 =	vld [tilespmem:s9+$0x50]  }
0xf1: {  	[tilespmem:s14+$0x11C30] =	vst v21;
	v19 =	vld.idx.msk [tilespmem:v22+s13+$0x0], $0xffff  }
0xf2: {  	v21 =	vld.idx.msk [tilespmem:v23+s13+$0x0], $0xffff;
	v22 =	vor.u32 s25, v8  }
0xf3: {  	v23 =	vld.idx.msk [tilespmem:v24+s13+$0x0], $0xffff;
	v24 =	vor.u32 s16, v8  }
0xf4: {  	v16 =	vld.idx.msk [tilespmem:v16+s13+$0x0], $0xffff;
	[tilespmem:v25+s26+$0x0] =	vst.idx.msk $0xffff, v26;
	v25 =	vor.u32 s15, v4  }
0xf5: {  	v28 =	vor.u32 s0, v4;
	v26 =	vor.u32 v12, v20;
	v27 =	vld [tilespmem:s18+$0x50];
	[tilespmem:v18+s26+$0x0] =	vst.idx.msk $0xffff, v17  }
0xf6: {  	[tilespmem:s14+$0x11CC0] =	vst v19;
	v18 =	vor.u32 v13, v15;
	v17 =	vld [tilespmem:s9+$0x60]  }
0xf7: {  	s2 =	simm.s32 $0x200;
	[tilespmem:s14+$0x11C40] =	vst v21;
	v19 =	vld.idx.msk [tilespmem:v22+s13+$0x0], $0xffff  }
0xf8: {  	[tilespmem:s2+$0x11C80] =	vst v23;
	v23 =	vor.u32 s25, v9;
	v22 =	vld.idx.msk [tilespmem:v24+s13+$0x0], $0xffff  }
0xf9: {  	[tilespmem:s2+$0x11C00] =	vst v16;
	v16 =	vld.idx.msk [tilespmem:v25+s13+$0x0], $0xffff;
	v25 =	vor.u32 s16, v9  }
0xfa: {  	v24 =	vld.idx.msk [tilespmem:v28+s13+$0x0], $0xffff;
	[tilespmem:v26+s26+$0x0] =	vst.idx.msk $0xffff, v27;
	v26 =	vor.u32 s15, v5  }
0xfb: {  	v28 =	vor.u32 v13, v20;
	v27 =	vld [tilespmem:s18+$0x60];
	[tilespmem:v18+s26+$0x0] =	vst.idx.msk $0xffff, v17;
	v17 =	vor.u32 s0, v5  }
0xfc: {  	v15 =	vor.u32 v14, v15;
	[tilespmem:s14+$0x11CD0] =	vst v19;
	v18 =	vld [tilespmem:s9+$0x70]  }
0xfd: {  	s20 =	simm.s32 $0x3;
	[tilespmem:s14+$0x11C50] =	vst v22;
	v19 =	vld.idx.msk [tilespmem:v23+s13+$0x0], $0xffff  }
0xfe: {  	v22 =	vmov s20;
	v23 =	vor.u32 s25, v10;
	[tilespmem:s2+$0x11C90] =	vst v16;
	v16 =	vld.idx.msk [tilespmem:v25+s13+$0x0], $0xffff  }
0xff: {  	s21 =	simm.s32 $0x180;
	v22 =	vand.u32 $0x7F, v22;
	[tilespmem:s2+$0x11C10] =	vst v24;
	v25 =	vor.u32 s16, v10;
	v24 =	vld.idx.msk [tilespmem:v26+s13+$0x0], $0xffff  }
0x100: {  	s6 =	simm.s32 $0x6;
	s1 =	sand.u32 $0x380, s21;
	v22 =	vbroadcast v22, $0x0;
	v26 =	vor.u32 s15, v6;
	[tilespmem:v28+s26+$0x0] =	vst.idx.msk $0xffff, v27;
	v17 =	vld.idx.msk [tilespmem:v17+s13+$0x0], $0xffff  }
0x101: {  	v21 =	vor.u32 s6, v3;
	v20 =	vor.u32 v14, v20;
	s9 =	sor.u32 s1, s17;
	v28 =	vld [tilespmem:s18+$0x70];
	[tilespmem:v15+s26+$0x0] =	vst.idx.msk $0xffff, v18  }
0x102: {  	v27 =	vor.u32 v11, v22;
	v15 =	vor.u32 s0, v6;
	[tilespmem:s14+$0x11CE0] =	vst v19;
	v18 =	vld [tilespmem:s9+$0x40]  }
0x103: {  	[tilespmem:s14+$0x11C60] =	vst v16;
	v16 =	vld.idx.msk [tilespmem:v23+s13+$0x0], $0xffff  }
0x104: {  	s21 =	simm.s32 $0x300;
	s23 =	simm.s32 $0x6;
	[tilespmem:s2+$0x11CA0] =	vst v24;
	v23 =	vld.idx.msk [tilespmem:v25+s13+$0x0], $0xffff  }
0x105: {  	v29 =	vor.u32 s15, v7;
	s22 =	simm.s32 $0x80;
	s24 =	simm.s32 $0x400;
	s25 =	simm.s32 $0x4;
	v25 =	vmov s23;
	v24 =	vld.idx.msk [tilespmem:v26+s13+$0x0], $0xffff;
	[tilespmem:s2+$0x11C20] =	vst v17  }
0x106: {  	s19 =	sand.u32 $0x7800, s24;
	v21 =	vld.idx.msk [tilespmem:v21+s13+$0x0], $0xffff;
	s1 =	sand.u32 $0x280, s22;
	s22 =	simm.s32 $0x200;
	v19 =	vmov s11;
	v26 =	vmov s25;
	v25 =	vand.u32 $0x7E, v25;
	[tilespmem:v20+s26+$0x0] =	vst.idx.msk $0xffff, v28  }
0x107: {  	s20 =	sor.u32 s1, s17;
	s1 =	sadd.s32 $0x1C00, s19;
	v19 =	vand.u32 $0x7D, v19;
	s23 =	sand.u32 $0x300, s21;
	v20 =	vbroadcast v25, $0x0;
	v15 =	vld.idx.msk [tilespmem:v15+s13+$0x0], $0xffff;
	[tilespmem:v27+s26+$0x0] =	vst.idx.msk $0xffff, v18;
	v18 =	vand.u32 $0x7C, v26  }
0x108: {  	s16 =	sand.u32 $0x200, s22;
	s24 =	sor.u32 s23, s1;
	v17 =	vor.u32 s0, v7;
	v26 =	vor.u32 v12, v22;
	[tilespmem:s14+$0x11CF0] =	vst v16;
	v25 =	vld [tilespmem:s9+$0x50];
	v18 =	vbroadcast v18, $0x0  }
0x109: {  	s16 =	sor.u32 s16, s1;
	v16 =	vbroadcast v19, $0x0;
	v28 =	vor.u32 v11, v20;
	[tilespmem:s14+$0x11C70] =	vst v23;
	v23 =	vld [tilespmem:s24+$0x40]  }
0x10a: {  	s11 =	simm.s32 $0x7;
	[tilespmem:s2+$0x11CB0] =	vst v24;
	v24 =	vld [tilespmem:s16+$0x40];
	v30 =	vor.u32 v11, v18  }
0x10b: {  	v27 =	vld [tilespmem:s20+$0x40];
	v19 =	vor.u32 s11, v3;
	v31 =	vor.u32 v11, v16  }
0x10c: {  	[tilespmem:s2+$0x11C30] =	vst v15;
	v15 =	vld.idx.msk [tilespmem:v29+s13+$0x0], $0xffff  }
0x10d: {  	v17 =	vld.idx.msk [tilespmem:v17+s13+$0x0], $0xffff;
	[tilespmem:v26+s26+$0x0] =	vst.idx.msk $0xffff, v25  }
0x10e: {  	v29 =	vor.u32 v13, v22;
	v25 =	vor.u32 s15, v8;
	[tilespmem:v28+s26+$0x0] =	vst.idx.msk $0xffff, v23;
	v26 =	vld [tilespmem:s9+$0x60]  }
0x10f: {  	v28 =	vor.u32 v12, v20;
	[tilespmem:v30+s26+$0x0] =	vst.idx.msk $0xffff, v24;
	v24 =	vld [tilespmem:s24+$0x50]  }
0x110: {  	v19 =	vld.idx.msk [tilespmem:v19+s13+$0x0], $0xffff;
	[tilespmem:v31+s26+$0x0] =	vst.idx.msk $0xffff, v27  }
0x111: {  	v23 =	vor.u32 s0, v8;
	v27 =	vld [tilespmem:s16+$0x50];
	[tilespmem:s2+$0x11CC0] =	vst v15  }
0x112: {  	v32 =	vor.u32 s6, v4;
	v31 =	vor.u32 v12, v18;
	v15 =	vld [tilespmem:s20+$0x50];
	[tilespmem:s2+$0x11C40] =	vst v17  }
0x113: {  	v30 =	vor.u32 s11, v4;
	v25 =	vld.idx.msk [tilespmem:v25+s13+$0x0], $0xffff;
	[tilespmem:v29+s26+$0x0] =	vst.idx.msk $0xffff, v26  }
0x114: {  	s17 =	simm.s32 $0x8;
	s14 =	simm.s32 $0x300;
	v22 =	vor.u32 v14, v22;
	v17 =	vld [tilespmem:s9+$0x70];
	[tilespmem:v28+s26+$0x0] =	vst.idx.msk $0xffff, v24  }
0x115: {  	[tilespmem:s14+$0x11C00] =	vst v21;
	v26 =	vor.u32 s17, v3;
	v28 =	vor.u32 v13, v20;
	v24 =	vld [tilespmem:s24+$0x60]  }
0x116: {  	[tilespmem:s14+$0x11C80] =	vst v19;
	v23 =	vld.idx.msk [tilespmem:v23+s13+$0x0], $0xffff  }
0x117: {  	v19 =	vor.u32 s15, v9;
	v29 =	vld.idx.msk [tilespmem:v32+s13+$0x0], $0xffff;
	[tilespmem:v31+s26+$0x0] =	vst.idx.msk $0xffff, v27  }
0x118: {  	v21 =	vld.idx.msk [tilespmem:v30+s13+$0x0], $0xffff;
	v30 =	vor.u32 s0, v9;
	[tilespmem:s2+$0x11CD0] =	vst v25  }
0x119: {  	v27 =	vor.u32 s11, v5;
	v31 =	vld [tilespmem:s16+$0x60];
	[tilespmem:v22+s26+$0x0] =	vst.idx.msk $0xffff, v17;
	v17 =	vor.u32 v13, v18  }
0x11a: {  	v25 =	vor.u32 v12, v16;
	v22 =	vld.idx.msk [tilespmem:v26+s13+$0x0], $0xffff;
	v26 =	vor.u32 s6, v5;
	[tilespmem:v28+s26+$0x0] =	vst.idx.msk $0xffff, v24  }
0x11b: {  	v20 =	vor.u32 v14, v20;
	[tilespmem:s2+$0x11C50] =	vst v23;
	v23 =	vld [tilespmem:s24+$0x70]  }
0x11c: {  	s25 =	simm.s32 $0x7;
	v19 =	vld.idx.msk [tilespmem:v19+s13+$0x0], $0xffff;
	[tilespmem:s14+$0x11C10] =	vst v29  }
0x11d: {  	[tilespmem:s14+$0x11C90] =	vst v21;
	v21 =	vmov s25;
	v24 =	vld.idx.msk [tilespmem:v30+s13+$0x0], $0xffff  }
0x11e: {  	s9 =	simm.s32 $0x380;
	v27 =	vld.idx.msk [tilespmem:v27+s13+$0x0], $0xffff;
	v28 =	vor.u32 s15, v10;
	[tilespmem:v17+s26+$0x0] =	vst.idx.msk $0xffff, v31;
	v17 =	vand.u32 $0x7F, v21  }
0x11f: {  	v29 =	vor.u32 s0, v10;
	s0 =	sand.u32 $0x380, s9;
	[tilespmem:v25+s26+$0x0] =	vst.idx.msk $0xffff, v15;
	v26 =	vld.idx.msk [tilespmem:v26+s13+$0x0], $0xffff;
	v21 =	vbroadcast v17, $0x0  }
0x120: {  	s19 =	sor.u32 s0, s1;
	s15 =	simm.s32 $0x5;
	v30 =	vor.u32 s11, v6;
	v25 =	vor.u32 v14, v18;
	v31 =	vld [tilespmem:s16+$0x70];
	[tilespmem:v20+s26+$0x0] =	vst.idx.msk $0xffff, v23  }
0x121: {  	v63 =	vor.u32 s6, v6;
	v15 =	vmov s15;
	[tilespmem:s2+$0x11CE0] =	vst v19;
	v19 =	vld [tilespmem:s19+$0x40];
	v23 =	vor.u32 v11, v21  }
0x122: {  	v33 =	vor.u32 v13, v16;
	v15 =	vand.u32 $0x7D, v15;
	[tilespmem:s2+$0x11C60] =	vst v24;
	v20 =	vld [tilespmem:s20+$0x60]  }
0x123: {  	v15 =	vbroadcast v15, $0x0;
	v28 =	vld.idx.msk [tilespmem:v28+s13+$0x0], $0xffff;
	[tilespmem:s14+$0x11CA0] =	vst v27  }
0x124: {  	v39 =	vor.u32 s11, v7;
	s16 =	simm.s32 $0x280;
	v35 =	vld.idx.msk [tilespmem:v29+s13+$0x0], $0xffff;
	[tilespmem:s14+$0x11C20] =	vst v26  }
0x125: {  	s22 =	simm.s32 $0xA;
	v18 =	vor.u32 v14, v16;
	s0 =	sand.u32 $0x280, s16;
	v24 =	vor.u32 v11, v15;
	v36 =	vld.idx.msk [tilespmem:v30+s13+$0x0], $0xffff;
	[tilespmem:v25+s26+$0x0] =	vst.idx.msk $0xffff, v31  }
0x126: {  	s18 =	simm.s32 $0x800;
	s15 =	simm.s32 $0x8;
	v17 =	vor.u32 v12, v15;
	v16 =	vor.u32 v13, v15;
	s0 =	sor.u32 s0, s1;
	v37 =	vld.idx.msk [tilespmem:v63+s13+$0x0], $0xffff;
	[tilespmem:v23+s26+$0x0] =	vst.idx.msk $0xffff, v19;
	v23 =	vmov s22  }
0x127: {  	s21 =	simm.s32 $0x9;
	s9 =	sand.u32 $0x7800, s18;
	s16 =	simm.s32 $0x500;
	v34 =	vor.u32 v12, v21;
	v26 =	vmov s15;
	v29 =	vld [tilespmem:s0+$0x40];
	[tilespmem:v33+s26+$0x0] =	vst.idx.msk $0xffff, v20;
	v20 =	vand.u32 $0x7E, v23  }
0x128: {  	s23 =	simm.s32 $0x400;
	s18 =	sadd.s32 $0x1C00, s9;
	s24 =	sand.u32 $0x300, s16;
	v25 =	vand.u32 $0x7C, v26;
	v31 =	vor.u32 s6, v7;
	[tilespmem:s2+$0x11CF0] =	vst v28;
	v32 =	vld [tilespmem:s19+$0x50];
	v23 =	vbroadcast v20, $0x0  }
0x129: {  	v15 =	vor.u32 v14, v15;
	s1 =	sand.u32 $0x200, s23;
	v40 =	vbroadcast v25, $0x0;
	[tilespmem:s2+$0x11C70] =	vst v35;
	v19 =	vmov s21;
	s21 =	sor.u32 s24, s18;
	v27 =	vld [tilespmem:s20+$0x70];
	s24 =	simm.s32 $0x9  }
0x12a: {  	s25 =	simm.s32 $0x480;
	[tilespmem:s14+$0x11CB0] =	vst v36;
	s20 =	sor.u32 s1, s18;
	v41 =	vand.u32 $0x7D, v19;
	v33 =	vld [tilespmem:s21+$0x40];
	v38 =	vor.u32 s24, v3;
	v36 =	vor.u32 v11, v23  }
0x12b: {  	s23 =	simm.s32 $0xC00;
	s1 =	sand.u32 $0x280, s25;
	v30 =	vor.u32 v11, v40;
	v26 =	vor.u32 v12, v40;
	v35 =	vld [tilespmem:s20+$0x40];
	v20 =	vbroadcast v41, $0x0  }
0x12c: {  	s25 =	simm.s32 $0xA;
	s22 =	simm.s32 $0xC00;
	v25 =	vor.u32 v13, v40;
	v19 =	vor.u32 v14, v40;
	s2 =	sor.u32 s1, s18;
	[tilespmem:s14+$0x11C30] =	vst v37;
	v37 =	vld.idx.msk [tilespmem:v39+s13+$0x0], $0xffff  }
.LBB2_3:
0x12d: {  	p0 =	slt.u32 s25, $0x3E;
	v31 =	vld.idx.msk [tilespmem:v31+s13+$0x0], $0xffff;
	v39 =	vor.u32 v11, v20;
	v40 =	vor.u32 v12, v20;
	[tilespmem:v34+s26+$0x0] =	vst.idx.msk $0xffff, v32  }
0x12e: {  	v32 =	vor.u32 s11, v8;
	v28 =	vor.u32 v13, v20;
	v34 =	vor.u32 v13, v21;
	[tilespmem:v24+s26+$0x0] =	vst.idx.msk $0xffff, v29;
	v29 =	vld [tilespmem:s19+$0x60]  }
0x12f: {  	v20 =	vor.u32 v14, v20;
	v24 =	vmov v39;
	v38 =	vld.idx.msk [tilespmem:v38+s13+$0x0], $0xffff;
	[tilespmem:v36+s26+$0x0] =	vst.idx.msk $0xffff, v33  }
0x130: {  	v33 =	vor.u32 s6, v8;
	[tilespmem:v30+s26+$0x0] =	vst.idx.msk $0xffff, v35;
	v30 =	vld [tilespmem:s21+$0x50];
	v35 =	vor.u32 v12, v23  }
0x131: {  	v36 =	vld [tilespmem:s20+$0x50];
	[tilespmem:v18+s26+$0x0] =	vst.idx.msk $0xffff, v27;
	v18 =	vmov v15;
	v15 =	vmov v20  }
0x132: {  	v20 =	vor.u32 s24, v4;
	[tilespmem:s14+$0x11CC0] =	vst v37;
	v27 =	vld [tilespmem:s0+$0x50]  }
0x133: {  	v37 =	vor.u32 s17, v4;
	v32 =	vld.idx.msk [tilespmem:v32+s13+$0x0], $0xffff;
	[tilespmem:v34+s26+$0x0] =	vst.idx.msk $0xffff, v29  }
0x134: {  	s23 =	sadd.s32 $0x400, s23;
	v21 =	vor.u32 v14, v21;
	[tilespmem:s14+$0x11C40] =	vst v31;
	v29 =	vld [tilespmem:s19+$0x70]  }
0x135: {  	s1 =	sshra.s32 s23, $0x2;
	v31 =	vor.u32 s25, v3;
	v33 =	vld.idx.msk [tilespmem:v33+s13+$0x0], $0xffff;
	[tilespmem:v35+s26+$0x0] =	vst.idx.msk $0xffff, v30  }
0x136: {  	v30 =	vor.u32 s11, v9;
	v35 =	vor.u32 v13, v23;
	[tilespmem:s1+$0x11C80] =	vst v38;
	v34 =	vld [tilespmem:s21+$0x60]  }
0x137: {  	[tilespmem:s1+$0x11C00] =	vst v22;
	v20 =	vld.idx.msk [tilespmem:v20+s13+$0x0], $0xffff  }
0x138: {  	v38 =	vor.u32 s6, v9;
	v37 =	vld.idx.msk [tilespmem:v37+s13+$0x0], $0xffff;
	[tilespmem:v26+s26+$0x0] =	vst.idx.msk $0xffff, v36  }
0x139: {  	v26 =	vor.u32 s24, v5;
	v36 =	vld [tilespmem:s20+$0x60];
	[tilespmem:v21+s26+$0x0] =	vst.idx.msk $0xffff, v29  }
0x13a: {  	v21 =	vor.u32 s17, v5;
	v22 =	vld.idx.msk [tilespmem:v31+s13+$0x0], $0xffff;
	[tilespmem:s14+$0x11CD0] =	vst v32  }
0x13b: {  	v29 =	vld.idx.msk [tilespmem:v30+s13+$0x0], $0xffff;
	[tilespmem:v35+s26+$0x0] =	vst.idx.msk $0xffff, v34  }
0x13c: {  	v23 =	vor.u32 v14, v23;
	[tilespmem:s14+$0x11C50] =	vst v33;
	v30 =	vld [tilespmem:s21+$0x70]  }
0x13d: {  	s9 =	sadd.s32 $0x3, s15;
	[tilespmem:s1+$0x11C90] =	vst v20;
	v20 =	vld.idx.msk [tilespmem:v38+s13+$0x0], $0xffff  }
0x13e: {  	v31 =	vor.u32 s11, v10;
	v32 =	vmov s9;
	s11 =	smov.u32 s24;
	[tilespmem:s1+$0x11C10] =	vst v37;
	v26 =	vld.idx.msk [tilespmem:v26+s13+$0x0], $0xffff  }
0x13f: {  	s9 =	sadd.s32 $0x80, s16;
	v34 =	vor.u32 s6, v10;
	s6 =	smov.u32 s17;
	s17 =	smov.u32 s25;
	v33 =	vld.idx.msk [tilespmem:v21+s13+$0x0], $0xffff;
	[tilespmem:v25+s26+$0x0] =	vst.idx.msk $0xffff, v36;
	v21 =	vand.u32 $0x7F, v32  }
0x140: {  	s9 =	sand.u32 $0x380, s9;
	v25 =	vor.u32 s11, v6;
	v32 =	vld [tilespmem:s20+$0x70];
	v21 =	vbroadcast v21, $0x0;
	[tilespmem:v17+s26+$0x0] =	vst.idx.msk $0xffff, v27;
	v17 =	vmov v40  }
0x141: {  	s19 =	sor.u32 s9, s18;
	v27 =	vor.u32 s6, v6;
	[tilespmem:v23+s26+$0x0] =	vst.idx.msk $0xffff, v30;
	v30 =	vld [tilespmem:s0+$0x60]  }
0x142: {  	[tilespmem:s14+$0x11CE0] =	vst v29;
	v23 =	vld [tilespmem:s19+$0x40];
	v35 =	vor.u32 v11, v21  }
0x143: {  	[tilespmem:s14+$0x11C60] =	vst v20;
	v20 =	vld.idx.msk [tilespmem:v31+s13+$0x0], $0xffff  }
0x144: {  	s15 =	sadd.s32 $0x4, s15;
	[tilespmem:s1+$0x11CA0] =	vst v26;
	v36 =	vld.idx.msk [tilespmem:v34+s13+$0x0], $0xffff  }
0x145: {  	s9 =	sadd.s32 $0x1, s15;
	s18 =	sadd.s32 $0x2, s15;
	v31 =	vor.u32 s6, v7;
	[tilespmem:s1+$0x11C20] =	vst v33;
	v37 =	vld.idx.msk [tilespmem:v25+s13+$0x0], $0xffff;
	v25 =	vmov s15  }
0x146: {  	s16 =	sadd.s32 $0x200, s16;
	v26 =	vmov s9;
	v39 =	vld.idx.msk [tilespmem:v27+s13+$0x0], $0xffff;
	v25 =	vand.u32 $0x7C, v25;
	v27 =	vmov s18;
	[tilespmem:v19+s26+$0x0] =	vst.idx.msk $0xffff, v32  }
0x147: {  	v40 =	vor.u32 s11, v7;
	s20 =	sadd.s32 $0xFFFFFF00, s16;
	s9 =	sand.u32 $0x7800, s22;
	s22 =	smov.u32 s23;
	v19 =	vbroadcast v25, $0x0;
	v25 =	vand.u32 $0x7E, v27;
	v29 =	vld [tilespmem:s2+$0x40];
	[tilespmem:v35+s26+$0x0] =	vst.idx.msk $0xffff, v23  }
.Ltmp0:
0x148: {  	v34 =	vor.u32 v12, v21;
	v41 =	vand.u32 $0x7D, v26;
	s18 =	sadd.s32 $0x1C00, s9;
	s9 =	sand.u32 $0x300, s16;
	v23 =	vbroadcast v25, $0x0;
	v32 =	vld [tilespmem:s19+$0x50];
	[tilespmem:v16+s26+$0x0] =	vst.idx.msk $0xffff, v30;
	(pc) =	sbr.rel @p0 .LBB2_3-.Ltmp0, $4  }
0x149: {  	s24 =	sadd.s32 $0x1, s25;
	s20 =	sand.u32 $0x200, s20;
	s21 =	sor.u32 s9, s18;
	v30 =	vor.u32 v11, v19;
	v26 =	vor.u32 v12, v19;
	v25 =	vor.u32 v13, v19;
	[tilespmem:s14+$0x11CF0] =	vst v20;
	v27 =	vld [tilespmem:s0+$0x70]  }
0x14a: {  	v38 =	vor.u32 s24, v3;
	s20 =	sor.u32 s20, s18;
	v16 =	vmovc v28;
	v19 =	vor.u32 v14, v19;
	s0 =	sadd.s32 $0xFFFFFF80, s16;
	[tilespmem:s14+$0x11C70] =	vst v36;
	v33 =	vld [tilespmem:s21+$0x40];
	v36 =	vor.u32 v11, v23;
	s14 =	smov.u32 s1  }
0x14b: {  	v20 =	vbroadcast v41, $0x0;
	s1 =	sand.u32 $0x280, s0;
	s0 =	smov.u32 s2;
	[tilespmem:s14+$0x11CB0] =	vst v37;
	v35 =	vld [tilespmem:s20+$0x40]  }
0x14c: {  	s25 =	sadd.s32 $0x2, s25;
	s2 =	sor.u32 s1, s18;
	[tilespmem:s14+$0x11C30] =	vst v39;
	v37 =	vld.idx.msk [tilespmem:v40+s13+$0x0], $0xffff  }
0x14d: {  	_ =	sdelay $0x3  }
0x14e: {  	v28 =	vld.idx.msk [tilespmem:v38+s13+$0x0], $0xffff  }
0x14f: {  	v47 =	vor.u32 s24, v4  }
0x150: {  	v39 =	vor.u32 s17, v4  }
0x151: {  	s9 =	sadd.s32 $0x400, s23  }
0x152: {  	s25 =	sshra.s32 s9, $0x2  }
0x153: {  	[tilespmem:s25+$0x11C80] =	vst v28  }
0x154: {  	[tilespmem:s25+$0x11C00] =	vst v22;
	v22 =	vld.idx.msk [tilespmem:v47+s13+$0x0], $0xffff  }
0x155: {  	v48 =	vor.u32 s24, v5;
	v28 =	vld.idx.msk [tilespmem:v39+s13+$0x0], $0xffff  }
0x156: {  	v49 =	vor.u32 s17, v5;
	_ =	sdelay $0x2  }
0x157: {  	[tilespmem:s25+$0x11C90] =	vst v22  }
0x158: {  	[tilespmem:s25+$0x11C10] =	vst v28;
	v22 =	vld.idx.msk [tilespmem:v48+s13+$0x0], $0xffff  }
0x159: {  	v50 =	vor.u32 s24, v6;
	v28 =	vld.idx.msk [tilespmem:v49+s13+$0x0], $0xffff  }
0x15a: {  	v51 =	vor.u32 s17, v6;
	_ =	sdelay $0x2  }
0x15b: {  	[tilespmem:s25+$0x11CA0] =	vst v22  }
0x15c: {  	[tilespmem:s25+$0x11C20] =	vst v28;
	v22 =	vld.idx.msk [tilespmem:v50+s13+$0x0], $0xffff  }
0x15d: {  	v52 =	vor.u32 s24, v7;
	v28 =	vld.idx.msk [tilespmem:v51+s13+$0x0], $0xffff;
	_ =	sdelay $0x1  }
0x15e: {  	v53 =	vor.u32 s17, v7;
	_ =	sdelay $0x1  }
0x15f: {  	v31 =	vld.idx.msk [tilespmem:v31+s13+$0x0], $0xffff;
	v40 =	vor.u32 s11, v8;
	[tilespmem:s25+$0x11CB0] =	vst v22  }
0x160: {  	[tilespmem:s25+$0x11C30] =	vst v28;
	v22 =	vor.u32 s6, v8;
	v28 =	vld.idx.msk [tilespmem:v52+s13+$0x0], $0xffff;
	_ =	sdelay $0x1  }
0x161: {  	v55 =	vor.u32 s24, v8;
	[tilespmem:v34+s26+$0x0] =	vst.idx.msk $0xffff, v32;
	v54 =	vld.idx.msk [tilespmem:v53+s13+$0x0], $0xffff  }
0x162: {  	v41 =	vor.u32 s17, v8;
	[tilespmem:s14+$0x11CC0] =	vst v37  }
0x163: {  	[tilespmem:s14+$0x11C40] =	vst v31;
	v31 =	vld.idx.msk [tilespmem:v40+s13+$0x0], $0xffff  }
0x164: {  	v22 =	vld.idx.msk [tilespmem:v22+s13+$0x0], $0xffff;
	[tilespmem:s25+$0x11CC0] =	vst v28;
	v28 =	vor.u32 s11, v9  }
0x165: {  	v56 =	vor.u32 s6, v9;
	[tilespmem:v24+s26+$0x0] =	vst.idx.msk $0xffff, v29  }
0x166: {  	[tilespmem:s25+$0x11C40] =	vst v54;
	v57 =	vld.idx.msk [tilespmem:v55+s13+$0x0], $0xffff  }
0x167: {  	v59 =	vor.u32 s24, v9;
	[tilespmem:v18+s26+$0x0] =	vst.idx.msk $0xffff, v27;
	v58 =	vld.idx.msk [tilespmem:v41+s13+$0x0], $0xffff  }
0x168: {  	v24 =	vor.u32 s17, v9;
	[tilespmem:s14+$0x11CD0] =	vst v31  }
0x169: {  	[tilespmem:s14+$0x11C50] =	vst v22;
	v28 =	vld.idx.msk [tilespmem:v28+s13+$0x0], $0xffff  }
0x16a: {  	v29 =	vor.u32 s11, v10;
	[tilespmem:v36+s26+$0x0] =	vst.idx.msk $0xffff, v33;
	v22 =	vld.idx.msk [tilespmem:v56+s13+$0x0], $0xffff  }
0x16b: {  	v62 =	vor.u32 v13, v21;
	v61 =	vld [tilespmem:s19+$0x60];
	v31 =	vor.u32 s6, v10;
	[tilespmem:s25+$0x11CD0] =	vst v57  }
0x16c: {  	[tilespmem:s25+$0x11C50] =	vst v58;
	v34 =	vld.idx.msk [tilespmem:v59+s13+$0x0], $0xffff  }
0x16d: {  	v60 =	vor.u32 s24, v10;
	[tilespmem:v30+s26+$0x0] =	vst.idx.msk $0xffff, v35;
	v24 =	vld.idx.msk [tilespmem:v24+s13+$0x0], $0xffff  }
0x16e: {  	v30 =	vor.u32 s17, v10;
	v63 =	vld [tilespmem:s21+$0x50];
	v40 =	vor.u32 v12, v23;
	[tilespmem:s14+$0x11CE0] =	vst v28  }
0x16f: {  	[tilespmem:s14+$0x11C60] =	vst v22;
	v22 =	vld.idx.msk [tilespmem:v29+s13+$0x0], $0xffff  }
0x170: {  	[tilespmem:v62+s26+$0x0] =	vst.idx.msk $0xffff, v61;
	v28 =	vld.idx.msk [tilespmem:v31+s13+$0x0], $0xffff  }
0x171: {  	s23 =	sadd.s32 $0x4, s15;
	v31 =	vld [tilespmem:s20+$0x50];
	[tilespmem:s25+$0x11CE0] =	vst v34  }
0x172: {  	s1 =	sadd.s32 $0x2, s23;
	v42 =	vmov s23;
	s11 =	sadd.s32 $0x200, s16;
	[tilespmem:s25+$0x11C60] =	vst v24;
	v24 =	vld.idx.msk [tilespmem:v60+s13+$0x0], $0xffff  }
0x173: {  	s24 =	sand.u32 $0x7800, s22;
	v33 =	vand.u32 $0x7C, v42;
	[tilespmem:v40+s26+$0x0] =	vst.idx.msk $0xffff, v63;
	s17 =	sadd.s32 $0xFFFFFF00, s11;
	v29 =	vld.idx.msk [tilespmem:v30+s13+$0x0], $0xffff;
	v30 =	vmov s1;
	s1 =	sadd.s32 $0x4, s23  }
0x174: {  	v33 =	vbroadcast v33, $0x0;
	v47 =	vld [tilespmem:s0+$0x50];
	s6 =	sadd.s32 $0x1C00, s24;
	s17 =	sand.u32 $0x200, s17;
	v30 =	vand.u32 $0x7E, v30;
	s24 =	sadd.s32 $0x2, s1;
	[tilespmem:s14+$0x11CF0] =	vst v22  }
0x175: {  	v21 =	vor.u32 v14, v21;
	s22 =	sand.u32 $0x300, s11;
	v30 =	vbroadcast v30, $0x0;
	v22 =	vld [tilespmem:s19+$0x70];
	[tilespmem:s14+$0x11C70] =	vst v28;
	v28 =	vmov s24;
	s19 =	sor.u32 s17, s6  }
0x176: {  	s9 =	sand.u32 $0x7800, s9;
	v18 =	vor.u32 v11, v33;
	s22 =	sor.u32 s22, s6;
	v44 =	vmov s1;
	s17 =	sadd.s32 $0x200, s11;
	[tilespmem:v26+s26+$0x0] =	vst.idx.msk $0xffff, v31;
	v28 =	vand.u32 $0x7E, v28;
	v27 =	vld [tilespmem:s19+$0x40]  }
0x177: {  	v35 =	vand.u32 $0x7C, v44;
	v45 =	vor.u32 v11, v30;
	s14 =	sadd.s32 $0x1C00, s9;
	s24 =	sadd.s32 $0xFFFFFF00, s17;
	s9 =	sand.u32 $0x300, s17;
	[tilespmem:s25+$0x11CF0] =	vst v24;
	v24 =	vld [tilespmem:s22+$0x40];
	v28 =	vbroadcast v28, $0x0  }
0x178: {  	[tilespmem:s25+$0x11C70] =	vst v29;
	v29 =	vbroadcast v35, $0x0;
	v46 =	vld [tilespmem:s20+$0x60];
	s25 =	sand.u32 $0x200, s24;
	s24 =	sor.u32 s9, s14  }
0x179: {  	[tilespmem:v17+s26+$0x0] =	vst.idx.msk $0xffff, v47;
	s9 =	sor.u32 s25, s14;
	v26 =	vld [tilespmem:s24+$0x40];
	v31 =	vor.u32 v11, v28  }
0x17a: {  	[tilespmem:v21+s26+$0x0] =	vst.idx.msk $0xffff, v22;
	v21 =	vor.u32 v11, v29;
	v22 =	vld [tilespmem:s9+$0x40]  }
0x17b: {  	v43 =	vld [tilespmem:s21+$0x60];
	v41 =	vor.u32 v13, v23;
	[tilespmem:v18+s26+$0x0] =	vst.idx.msk $0xffff, v27  }
0x17c: {  	v27 =	vor.u32 v12, v33;
	[tilespmem:v45+s26+$0x0] =	vst.idx.msk $0xffff, v24;
	v48 =	vld [tilespmem:s19+$0x50]  }
0x17d: {  	[tilespmem:v25+s26+$0x0] =	vst.idx.msk $0xffff, v46;
	v24 =	vor.u32 v12, v30;
	v18 =	vld [tilespmem:s22+$0x50]  }
0x17e: {  	v17 =	vld [tilespmem:s20+$0x70];
	[tilespmem:v31+s26+$0x0] =	vst.idx.msk $0xffff, v26  }
0x17f: {  	[tilespmem:v21+s26+$0x0] =	vst.idx.msk $0xffff, v22;
	v21 =	vld [tilespmem:s24+$0x50];
	v22 =	vor.u32 v12, v28  }
0x180: {  	[tilespmem:v41+s26+$0x0] =	vst.idx.msk $0xffff, v43;
	v25 =	vor.u32 v12, v29;
	v26 =	vld [tilespmem:s9+$0x50]  }
0x181: {  	v23 =	vor.u32 v14, v23;
	v31 =	vld [tilespmem:s21+$0x70];
	[tilespmem:v27+s26+$0x0] =	vst.idx.msk $0xffff, v48  }
0x182: {  	s20 =	sadd.s32 $0x3, s15;
	v27 =	vor.u32 v13, v33;
	[tilespmem:v24+s26+$0x0] =	vst.idx.msk $0xffff, v18;
	v34 =	vld [tilespmem:s19+$0x60]  }
0x183: {  	v49 =	vor.u32 v13, v30;
	[tilespmem:v19+s26+$0x0] =	vst.idx.msk $0xffff, v17;
	v18 =	vmov s20;
	v24 =	vld [tilespmem:s22+$0x60]  }
0x184: {  	s21 =	sadd.s32 $0x80, s16;
	v17 =	vld [tilespmem:s0+$0x60];
	v18 =	vand.u32 $0x7F, v18;
	[tilespmem:v22+s26+$0x0] =	vst.idx.msk $0xffff, v21  }
0x185: {  	s15 =	sand.u32 $0x380, s21;
	v18 =	vbroadcast v18, $0x0;
	v22 =	vor.u32 v13, v28;
	v21 =	vld [tilespmem:s24+$0x60];
	[tilespmem:v25+s26+$0x0] =	vst.idx.msk $0xffff, v26  }
0x186: {  	s15 =	sor.u32 s15, s18;
	[tilespmem:v23+s26+$0x0] =	vst.idx.msk $0xffff, v31;
	v23 =	vor.u32 v13, v29;
	v25 =	vld [tilespmem:s9+$0x60]  }
0x187: {  	v26 =	vld [tilespmem:s15+$0x40];
	v31 =	vor.u32 v11, v18;
	[tilespmem:v27+s26+$0x0] =	vst.idx.msk $0xffff, v34  }
0x188: {  	[tilespmem:v49+s26+$0x0] =	vst.idx.msk $0xffff, v24;
	v24 =	vor.u32 v14, v30;
	v30 =	vor.u32 v14, v33;
	v50 =	vld [tilespmem:s19+$0x70]  }
0x189: {  	[tilespmem:v16+s26+$0x0] =	vst.idx.msk $0xffff, v17;
	v19 =	vld [tilespmem:s22+$0x70]  }
0x18a: {  	s20 =	sadd.s32 $0x3, s1;
	v28 =	vor.u32 v14, v28;
	s22 =	sadd.s32 $0x1, s23;
	[tilespmem:v22+s26+$0x0] =	vst.idx.msk $0xffff, v21  }
0x18b: {  	s25 =	sadd.s32 $0x3, s23;
	v17 =	vmov s20;
	v27 =	vor.u32 v11, v20;
	v21 =	vmov s22;
	v51 =	vld [tilespmem:s24+$0x70];
	[tilespmem:v23+s26+$0x0] =	vst.idx.msk $0xffff, v25  }
0x18c: {  	s21 =	sadd.s32 $0xFFFFFF80, s11;
	s19 =	sadd.s32 $0x80, s11;
	v22 =	vmov s25;
	[tilespmem:v31+s26+$0x0] =	vst.idx.msk $0xffff, v26;
	v21 =	vand.u32 $0x7D, v21;
	v23 =	vor.u32 v14, v29;
	v25 =	vld [tilespmem:s9+$0x70]  }
0x18d: {  	s23 =	sadd.s32 $0x1, s1;
	s22 =	sand.u32 $0x380, s19;
	v22 =	vand.u32 $0x7F, v22;
	v29 =	vor.u32 v12, v18;
	v26 =	vld [tilespmem:s15+$0x50];
	s9 =	sand.u32 $0x280, s21;
	v21 =	vbroadcast v21, $0x0;
	[tilespmem:v30+s26+$0x0] =	vst.idx.msk $0xffff, v50  }
0x18e: {  	v17 =	vand.u32 $0x7F, v17;
	s25 =	sadd.s32 $0x80, s17;
	s24 =	sor.u32 s22, s6;
	v16 =	vbroadcast v22, $0x0;
	v22 =	vld [tilespmem:s2+$0x40];
	s6 =	sor.u32 s9, s6;
	[tilespmem:v24+s26+$0x0] =	vst.idx.msk $0xffff, v19;
	v19 =	vmov s23  }
0x18f: {  	s16 =	sadd.s32 $0xFFFFFF80, s17;
	v17 =	vbroadcast v17, $0x0;
	s11 =	sand.u32 $0x380, s25;
	v30 =	vor.u32 v11, v21;
	v32 =	vld [tilespmem:s6+$0x40];
	v19 =	vand.u32 $0x7D, v19  }
0x190: {  	s11 =	sor.u32 s11, s14;
	s9 =	sand.u32 $0x280, s16;
	v31 =	vor.u32 v11, v16;
	v24 =	vld [tilespmem:s24+$0x40];
	v19 =	vbroadcast v19, $0x0;
	[tilespmem:v28+s26+$0x0] =	vst.idx.msk $0xffff, v51  }
0x191: {  	v52 =	vor.u32 v11, v17;
	s9 =	sor.u32 s9, s14;
	v28 =	vld [tilespmem:s11+$0x40];
	[tilespmem:v23+s26+$0x0] =	vst.idx.msk $0xffff, v25  }
0x192: {  	[tilespmem:v29+s26+$0x0] =	vst.idx.msk $0xffff, v26;
	v23 =	vor.u32 v11, v19;
	v25 =	vld [tilespmem:s9+$0x40]  }
0x193: {  	v26 =	vld [tilespmem:s0+$0x70];
	[tilespmem:v27+s26+$0x0] =	vst.idx.msk $0xffff, v22  }
0x194: {  	v22 =	vor.u32 v12, v20;
	v27 =	vld [tilespmem:s2+$0x50];
	[tilespmem:v30+s26+$0x0] =	vst.idx.msk $0xffff, v32  }
0x195: {  	v30 =	vor.u32 v12, v21;
	[tilespmem:v31+s26+$0x0] =	vst.idx.msk $0xffff, v24;
	v31 =	vld [tilespmem:s6+$0x50]  }
0x196: {  	v29 =	vor.u32 v12, v16;
	v24 =	vld [tilespmem:s24+$0x50];
	[tilespmem:v52+s26+$0x0] =	vst.idx.msk $0xffff, v28  }
0x197: {  	v53 =	vor.u32 v12, v17;
	v28 =	vld [tilespmem:s11+$0x50];
	[tilespmem:v23+s26+$0x0] =	vst.idx.msk $0xffff, v25  }
0x198: {  	[tilespmem:v15+s26+$0x0] =	vst.idx.msk $0xffff, v26;
	v15 =	vor.u32 v12, v19;
	v23 =	vld [tilespmem:s9+$0x50]  }
0x199: {  	v26 =	vor.u32 v13, v18;
	v25 =	vld [tilespmem:s15+$0x60];
	[tilespmem:v22+s26+$0x0] =	vst.idx.msk $0xffff, v27  }
0x19a: {  	v22 =	vor.u32 v13, v20;
	v27 =	vld [tilespmem:s2+$0x60];
	[tilespmem:v30+s26+$0x0] =	vst.idx.msk $0xffff, v31  }
0x19b: {  	v30 =	vor.u32 v13, v21;
	[tilespmem:v29+s26+$0x0] =	vst.idx.msk $0xffff, v24;
	v31 =	vld [tilespmem:s6+$0x60]  }
0x19c: {  	v29 =	vor.u32 v13, v16;
	v24 =	vld [tilespmem:s24+$0x60];
	[tilespmem:v53+s26+$0x0] =	vst.idx.msk $0xffff, v28  }
0x19d: {  	v54 =	vor.u32 v13, v17;
	v28 =	vld [tilespmem:s11+$0x60];
	[tilespmem:v15+s26+$0x0] =	vst.idx.msk $0xffff, v23  }
0x19e: {  	[tilespmem:v26+s26+$0x0] =	vst.idx.msk $0xffff, v25;
	v15 =	vor.u32 v13, v19;
	v23 =	vld [tilespmem:s9+$0x60]  }
0x19f: {  	v18 =	vor.u32 v14, v18;
	v25 =	vld [tilespmem:s15+$0x70];
	[tilespmem:v22+s26+$0x0] =	vst.idx.msk $0xffff, v27  }
0x1a0: {  	v20 =	vor.u32 v14, v20;
	v22 =	vld [tilespmem:s2+$0x70];
	[tilespmem:v30+s26+$0x0] =	vst.idx.msk $0xffff, v31  }
0x1a1: {  	v21 =	vor.u32 v14, v21;
	[tilespmem:v29+s26+$0x0] =	vst.idx.msk $0xffff, v24;
	v26 =	vld [tilespmem:s6+$0x70]  }
0x1a2: {  	v16 =	vor.u32 v14, v16;
	v24 =	vld [tilespmem:s24+$0x70];
	[tilespmem:v54+s26+$0x0] =	vst.idx.msk $0xffff, v28  }
0x1a3: {  	v17 =	vor.u32 v14, v17;
	v27 =	vld [tilespmem:s11+$0x70];
	[tilespmem:v15+s26+$0x0] =	vst.idx.msk $0xffff, v23  }
0x1a4: {  	[tilespmem:v18+s26+$0x0] =	vst.idx.msk $0xffff, v25;
	v15 =	vor.u32 v14, v19;
	v18 =	vld [tilespmem:s9+$0x70]  }
0x1a5: {  	[tilespmem:v20+s26+$0x0] =	vst.idx.msk $0xffff, v22  }
0x1a6: {  	s17 =	sshll.u32 s12, $0x14;
	[tilespmem:v21+s26+$0x0] =	vst.idx.msk $0xffff, v26  }
0x1a7: {  	s0 =	sor.u32 s4, s17;
	[tilespmem:v16+s26+$0x0] =	vst.idx.msk $0xffff, v24  }
0x1a8: {  	s18 =	rddreg [dreg:$0x2];
	s0 =	sshrl.u32 s0, $0x3;
	[tilespmem:v17+s26+$0x0] =	vst.idx.msk $0xffff, v27  }
0x1a9: {  	s19 =	simm.s32 $0x400;
	s0 =	sadd.s32 s18, s0;
	[tilespmem:v15+s26+$0x0] =	vst.idx.msk $0xffff, v18  }
0x1aa: {  	[hbm4b:s0+s19] =	stream.strided.scatter [tilespmem:s26], [sflag:$0x3], $0x4000, s10, s19, $0x38;
	[tilespmem:$0x19C00] =	vst v63  }
0x1ab: {  	p0 =	seq.s32 s12, $0x18;
	_ =	swait.ge [sflag:s28], $0x4000  }
0x1ac: {  	s0 =	sshll.u32 @!p0 s12, $0x8;
	[sflag:s28] =	ssyncset.done $0x0  }
0x1ad: {  	s0 =	sand.u32 @!p0 $0x3FFFFF00, s0;
	[sflag:s28] =	ssyncadd.s32 $0xFFFFC000  }
0x1ae: {  	v15 =	vld @!p0 [tilespmem:s0+$0x100];
	_ =	sdelay $0x2  }
0x1af: {  	v16 =	vlaneseq.u32 @!p0  }
0x1b0: {  	v17 =	vand.u32 @!p0 $0x7, v16;
	v18 =	vshrl.u32 @!p0 v16, $0x3  }
0x1b1: {  	v18 =	vmul.u32 @!p0 $0x8, v18;
	v19 =	vperm.xlane @!p0 v15, v17  }
0x1b2: {  	v16 =	vor.u32 @!p0 $0x8, v16  }
0x1b3: {  	v15 =	vperm.xlane @!p0 v15, v16;
	v19 =	vadd.s32 @!p0 v18, v19;
	_ =	sdelay $0x1  }
0x1b4: {  	v15 =	vadd.s32 @!p0 v18, v15;
	_ =	sdelay $0x1  }
0x1b5: {  	vm1 =	vmmov @!p0 $0xff;
	s1 =	simm.s32 @!p0 $0x0;
	s2 =	simm.s32 @!p0 $0x1C00  }
0x1b6: {  	[tilespmem:s2], [sflag:$0x1] =	stream.indirect_vreg.gather @!p0 [hbm4b:s5+s1], $0x80, v19, vm1, $0xb8;
	[tilespmem:$0x19C00] =	vst v63  }
0x1b7: {  	s2 =	simm.s32 @!p0 $0x2400  }
0x1b8: {  	[tilespmem:s2], [sflag:$0x1] =	stream.indirect_vreg.gather @!p0 [hbm4b:s5+s1], $0x80, v15, vm1, $0xb8;
	[tilespmem:$0x19C00] =	vst v63  }
0x1b9: {  	v15 =	vld @!p0 [tilespmem:s0+$0x110];
	_ =	sdelay $0x4  }
0x1ba: {  	v19 =	vperm.xlane @!p0 v15, v17;
	_ =	sdelay $0x1  }
0x1bb: {  	v15 =	vperm.xlane @!p0 v15, v16;
	v19 =	vadd.s32 @!p0 v18, v19;
	_ =	sdelay $0x1  }
0x1bc: {  	v15 =	vadd.s32 @!p0 v18, v15;
	_ =	sdelay $0x1  }
0x1bd: {  	s2 =	simm.s32 @!p0 $0x2C00  }
0x1be: {  	[tilespmem:s2], [sflag:$0x1] =	stream.indirect_vreg.gather @!p0 [hbm4b:s5+s1], $0x80, v19, vm1, $0xb8;
	[tilespmem:$0x19C00] =	vst v63  }
0x1bf: {  	s2 =	simm.s32 @!p0 $0x3400  }
0x1c0: {  	[tilespmem:s2], [sflag:$0x1] =	stream.indirect_vreg.gather @!p0 [hbm4b:s5+s1], $0x80, v15, vm1, $0xb8;
	[tilespmem:$0x19C00] =	vst v63  }
0x1c1: {  	v15 =	vld @!p0 [tilespmem:s0+$0x120];
	_ =	sdelay $0x4  }
0x1c2: {  	v19 =	vperm.xlane @!p0 v15, v17;
	_ =	sdelay $0x1  }
0x1c3: {  	v15 =	vperm.xlane @!p0 v15, v16;
	v19 =	vadd.s32 @!p0 v18, v19;
	_ =	sdelay $0x1  }
0x1c4: {  	v15 =	vadd.s32 @!p0 v18, v15;
	_ =	sdelay $0x1  }
0x1c5: {  	s2 =	simm.s32 @!p0 $0x3C00  }
0x1c6: {  	[tilespmem:s2], [sflag:$0x1] =	stream.indirect_vreg.gather @!p0 [hbm4b:s5+s1], $0x80, v19, vm1, $0xb8;
	[tilespmem:$0x19C00] =	vst v63  }
0x1c7: {  	s2 =	simm.s32 @!p0 $0x4400  }
0x1c8: {  	[tilespmem:s2], [sflag:$0x1] =	stream.indirect_vreg.gather @!p0 [hbm4b:s5+s1], $0x80, v15, vm1, $0xb8;
	[tilespmem:$0x19C00] =	vst v63  }
0x1c9: {  	v15 =	vld @!p0 [tilespmem:s0+$0x130];
	_ =	sdelay $0x4  }
0x1ca: {  	v19 =	vperm.xlane @!p0 v15, v17;
	_ =	sdelay $0x1  }
0x1cb: {  	v15 =	vperm.xlane @!p0 v15, v16;
	v19 =	vadd.s32 @!p0 v18, v19;
	_ =	sdelay $0x1  }
0x1cc: {  	v15 =	vadd.s32 @!p0 v18, v15;
	_ =	sdelay $0x1  }
0x1cd: {  	s2 =	simm.s32 @!p0 $0x4C00  }
0x1ce: {  	[tilespmem:s2], [sflag:$0x1] =	stream.indirect_vreg.gather @!p0 [hbm4b:s5+s1], $0x80, v19, vm1, $0xb8;
	[tilespmem:$0x19C00] =	vst v63  }
0x1cf: {  	s2 =	simm.s32 @!p0 $0x5400  }
0x1d0: {  	[tilespmem:s2], [sflag:$0x1] =	stream.indirect_vreg.gather @!p0 [hbm4b:s5+s1], $0x80, v15, vm1, $0xb8;
	[tilespmem:$0x19C00] =	vst v63  }
0x1d1: {  	v15 =	vld @!p0 [tilespmem:s0+$0x140];
	_ =	sdelay $0x4  }
0x1d2: {  	v19 =	vperm.xlane @!p0 v15, v17;
	_ =	sdelay $0x1  }
0x1d3: {  	v15 =	vperm.xlane @!p0 v15, v16;
	v19 =	vadd.s32 @!p0 v18, v19;
	_ =	sdelay $0x1  }
0x1d4: {  	v15 =	vadd.s32 @!p0 v18, v15;
	_ =	sdelay $0x1  }
0x1d5: {  	s2 =	simm.s32 @!p0 $0x5C00  }
0x1d6: {  	[tilespmem:s2], [sflag:$0x1] =	stream.indirect_vreg.gather @!p0 [hbm4b:s5+s1], $0x80, v19, vm1, $0xb8;
	[tilespmem:$0x19C00] =	vst v63  }
0x1d7: {  	s2 =	simm.s32 @!p0 $0x6400  }
0x1d8: {  	[tilespmem:s2], [sflag:$0x1] =	stream.indirect_vreg.gather @!p0 [hbm4b:s5+s1], $0x80, v15, vm1, $0xb8;
	[tilespmem:$0x19C00] =	vst v63  }
0x1d9: {  	v15 =	vld @!p0 [tilespmem:s0+$0x150];
	_ =	sdelay $0x4  }
0x1da: {  	v19 =	vperm.xlane @!p0 v15, v17;
	_ =	sdelay $0x1  }
0x1db: {  	v15 =	vperm.xlane @!p0 v15, v16;
	v19 =	vadd.s32 @!p0 v18, v19;
	_ =	sdelay $0x1  }
0x1dc: {  	v15 =	vadd.s32 @!p0 v18, v15;
	_ =	sdelay $0x1  }
0x1dd: {  	s2 =	simm.s32 @!p0 $0x6C00  }
0x1de: {  	[tilespmem:s2], [sflag:$0x1] =	stream.indirect_vreg.gather @!p0 [hbm4b:s5+s1], $0x80, v19, vm1, $0xb8;
	[tilespmem:$0x19C00] =	vst v63  }
0x1df: {  	s2 =	simm.s32 @!p0 $0x7400  }
0x1e0: {  	[tilespmem:s2], [sflag:$0x1] =	stream.indirect_vreg.gather @!p0 [hbm4b:s5+s1], $0x80, v15, vm1, $0xb8;
	[tilespmem:$0x19C00] =	vst v63  }
0x1e1: {  	v15 =	vld @!p0 [tilespmem:s0+$0x160];
	_ =	sdelay $0x4  }
0x1e2: {  	v19 =	vperm.xlane @!p0 v15, v17;
	_ =	sdelay $0x1  }
0x1e3: {  	v15 =	vperm.xlane @!p0 v15, v16;
	v19 =	vadd.s32 @!p0 v18, v19;
	_ =	sdelay $0x1  }
0x1e4: {  	v15 =	vadd.s32 @!p0 v18, v15;
	_ =	sdelay $0x1  }
0x1e5: {  	s2 =	simm.s32 @!p0 $0x7C00  }
0x1e6: {  	[tilespmem:s2], [sflag:$0x1] =	stream.indirect_vreg.gather @!p0 [hbm4b:s5+s1], $0x80, v19, vm1, $0xb8;
	[tilespmem:$0x19C00] =	vst v63  }
0x1e7: {  	s2 =	simm.s32 @!p0 $0x8400  }
0x1e8: {  	[tilespmem:s2], [sflag:$0x1] =	stream.indirect_vreg.gather @!p0 [hbm4b:s5+s1], $0x80, v15, vm1, $0xb8;
	[tilespmem:$0x19C00] =	vst v63  }
0x1e9: {  	v15 =	vld @!p0 [tilespmem:s0+$0x170];
	_ =	sdelay $0x4  }
0x1ea: {  	v17 =	vperm.xlane @!p0 v15, v17;
	_ =	sdelay $0x1  }
0x1eb: {  	v15 =	vperm.xlane @!p0 v15, v16;
	v17 =	vadd.s32 @!p0 v18, v17;
	_ =	sdelay $0x1  }
0x1ec: {  	v15 =	vadd.s32 @!p0 v18, v15;
	_ =	sdelay $0x1  }
0x1ed: {  	s0 =	simm.s32 @!p0 $0x8C00  }
0x1ee: {  	[tilespmem:s0], [sflag:$0x1] =	stream.indirect_vreg.gather @!p0 [hbm4b:s5+s1], $0x80, v17, vm1, $0xb8;
	[tilespmem:$0x19C00] =	vst v63  }
0x1ef: {  	p1 =	seq.s32 @!p0 s12, $0x0;
	s11 =	simm.s32 $0x1;
	s0 =	simm.s32 @!p0 $0x9400  }
0x1f0: {  	[tilespmem:s0], [sflag:$0x1] =	stream.indirect_vreg.gather @!p0 [hbm4b:s5+s1], $0x80, v15, vm1, $0xb8;
	v15 =	vor.u32 s11, v3;
	[tilespmem:$0x19C00] =	vst v63  }
0x1f1: {  	p0 =	por p0, !p1  }
0x1f2: {  	_ =	swait.ge @p0 [sflag:s8], $0x4000  }
0x1f3: {  	[sflag:s8] =	ssyncset.done @p0 $0x0  }
0x1f4: {  	s20 =	simm.s32 $0x0;
	[sflag:s8] =	ssyncadd.s32 @p0 $0xFFFFC000  }
0x1f5: {  	v16 =	vor.u32 s20, v3;
	v15 =	vld.idx.msk [tilespmem:v15+s31+$0x0], $0xffff  }
0x1f6: {  	v17 =	vor.u32 s11, v4;
	_ =	sdelay $0x2  }
0x1f7: {  	s21 =	simm.s32 $0x0  }
0x1f8: {  	v16 =	vld.idx.msk [tilespmem:v16+s31+$0x0], $0xffff;
	[tilespmem:s21+$0x15C80] =	vst v15  }
0x1f9: {  	v15 =	vor.u32 s20, v4;
	v17 =	vld.idx.msk [tilespmem:v17+s31+$0x0], $0xffff  }
0x1fa: {  	v18 =	vor.u32 s11, v5;
	_ =	sdelay $0x2  }
0x1fb: {  	[tilespmem:s21+$0x15C00] =	vst v16  }
0x1fc: {  	v15 =	vld.idx.msk [tilespmem:v15+s31+$0x0], $0xffff;
	[tilespmem:s21+$0x15C90] =	vst v17  }
0x1fd: {  	v16 =	vor.u32 s20, v5;
	v17 =	vld.idx.msk [tilespmem:v18+s31+$0x0], $0xffff  }
0x1fe: {  	v18 =	vor.u32 s11, v6;
	_ =	sdelay $0x2  }
0x1ff: {  	[tilespmem:s21+$0x15C10] =	vst v15  }
0x200: {  	v15 =	vld.idx.msk [tilespmem:v16+s31+$0x0], $0xffff;
	[tilespmem:s21+$0x15CA0] =	vst v17  }
0x201: {  	v16 =	vor.u32 s20, v6;
	v17 =	vld.idx.msk [tilespmem:v18+s31+$0x0], $0xffff  }
0x202: {  	v18 =	vor.u32 s11, v7;
	_ =	sdelay $0x2  }
0x203: {  	[tilespmem:s21+$0x15C20] =	vst v15  }
0x204: {  	v15 =	vld.idx.msk [tilespmem:v16+s31+$0x0], $0xffff;
	[tilespmem:s21+$0x15CB0] =	vst v17  }
0x205: {  	v16 =	vor.u32 s20, v7;
	v17 =	vld.idx.msk [tilespmem:v18+s31+$0x0], $0xffff  }
0x206: {  	s22 =	simm.s32 $0x3;
	v18 =	vor.u32 s11, v8  }
0x207: {  	s23 =	simm.s32 $0x2;
	v19 =	vor.u32 s22, v3  }
0x208: {  	v20 =	vor.u32 s23, v3  }
0x209: {  	[tilespmem:s21+$0x15C30] =	vst v15  }
0x20a: {  	v15 =	vld.idx.msk [tilespmem:v16+s31+$0x0], $0xffff;
	[tilespmem:s21+$0x15CC0] =	vst v17  }
0x20b: {  	v16 =	vor.u32 s20, v8;
	v17 =	vld.idx.msk [tilespmem:v18+s31+$0x0], $0xffff  }
0x20c: {  	v18 =	vld.idx.msk [tilespmem:v19+s31+$0x0], $0xffff;
	v19 =	vor.u32 s11, v9  }
0x20d: {  	v21 =	vor.u32 s22, v4;
	v20 =	vld.idx.msk [tilespmem:v20+s31+$0x0], $0xffff  }
0x20e: {  	v22 =	vor.u32 s23, v4  }
0x20f: {  	[tilespmem:s21+$0x15C40] =	vst v15  }
0x210: {  	s14 =	simm.s32 $0x100;
	v15 =	vld.idx.msk [tilespmem:v16+s31+$0x0], $0xffff;
	[tilespmem:s21+$0x15CD0] =	vst v17  }
0x211: {  	v16 =	vor.u32 s20, v9;
	[tilespmem:s14+$0x15C80] =	vst v18;
	v17 =	vld.idx.msk [tilespmem:v19+s31+$0x0], $0xffff  }
0x212: {  	[tilespmem:s14+$0x15C00] =	vst v20;
	v18 =	vld.idx.msk [tilespmem:v21+s31+$0x0], $0xffff;
	v19 =	vor.u32 s11, v10  }
0x213: {  	v20 =	vld.idx.msk [tilespmem:v22+s31+$0x0], $0xffff;
	v21 =	vor.u32 s22, v5  }
0x214: {  	v22 =	vor.u32 s23, v5  }
0x215: {  	[tilespmem:s21+$0x15C50] =	vst v15  }
0x216: {  	v15 =	vld.idx.msk [tilespmem:v16+s31+$0x0], $0xffff;
	[tilespmem:s21+$0x15CE0] =	vst v17  }
0x217: {  	v16 =	vor.u32 s20, v10;
	[tilespmem:s14+$0x15C90] =	vst v18;
	v17 =	vld.idx.msk [tilespmem:v19+s31+$0x0], $0xffff  }
0x218: {  	[tilespmem:s14+$0x15C10] =	vst v20;
	v18 =	vld.idx.msk [tilespmem:v21+s31+$0x0], $0xffff  }
0x219: {  	v20 =	vor.u32 s22, v6;
	v19 =	vld.idx.msk [tilespmem:v22+s31+$0x0], $0xffff;
	v21 =	vmov s23  }
0x21a: {  	s25 =	sand.u32 $0x7800, s20;
	s24 =	simm.s32 $0x100;
	v22 =	vor.u32 s23, v6;
	v21 =	vand.u32 $0x7E, v21  }
0x21b: {  	s17 =	sadd.s32 $0x9C00, s25;
	s6 =	sand.u32 $0x300, s24;
	[tilespmem:s21+$0x15C60] =	vst v15;
	v15 =	vbroadcast v21, $0x0  }
0x21c: {  	s9 =	sor.u32 s6, s17;
	v16 =	vld.idx.msk [tilespmem:v16+s31+$0x0], $0xffff;
	[tilespmem:s21+$0x15CF0] =	vst v17  }
0x21d: {  	[tilespmem:s14+$0x15CA0] =	vst v18;
	v18 =	vor.u32 v11, v15;
	v17 =	vld [tilespmem:s9+$0x40]  }
0x21e: {  	[tilespmem:s14+$0x15C20] =	vst v19;
	v19 =	vld.idx.msk [tilespmem:v20+s31+$0x0], $0xffff;
	v20 =	vmov s20  }
0x21f: {  	s6 =	simm.s32 $0x0;
	v21 =	vld.idx.msk [tilespmem:v22+s31+$0x0], $0xffff;
	v22 =	vor.u32 s22, v7;
	v20 =	vand.u32 $0x7C, v20  }
0x220: {  	s15 =	simm.s32 $0x5;
	v23 =	vor.u32 s23, v7;
	s18 =	sand.u32 $0x200, s6;
	v20 =	vbroadcast v20, $0x0  }
0x221: {  	v24 =	vor.u32 s15, v3;
	s19 =	sor.u32 s18, s17;
	s0 =	simm.s32 $0x4;
	[tilespmem:s21+$0x15C70] =	vst v16  }
0x222: {  	v16 =	vor.u32 s0, v3;
	v25 =	vor.u32 v11, v20;
	v26 =	vld [tilespmem:s19+$0x40];
	[tilespmem:v18+s29+$0x0] =	vst.idx.msk $0xffff, v17  }
0x223: {  	[tilespmem:s14+$0x15CB0] =	vst v19;
	v18 =	vor.u32 v12, v15;
	v17 =	vld [tilespmem:s9+$0x50]  }
0x224: {  	[tilespmem:s14+$0x15C30] =	vst v21;
	v19 =	vld.idx.msk [tilespmem:v22+s31+$0x0], $0xffff  }
0x225: {  	v21 =	vld.idx.msk [tilespmem:v23+s31+$0x0], $0xffff;
	v22 =	vor.u32 s22, v8  }
0x226: {  	v23 =	vld.idx.msk [tilespmem:v24+s31+$0x0], $0xffff;
	v24 =	vor.u32 s23, v8  }
0x227: {  	v16 =	vld.idx.msk [tilespmem:v16+s31+$0x0], $0xffff;
	[tilespmem:v25+s29+$0x0] =	vst.idx.msk $0xffff, v26;
	v25 =	vor.u32 s15, v4  }
0x228: {  	v28 =	vor.u32 s0, v4;
	v26 =	vor.u32 v12, v20;
	v27 =	vld [tilespmem:s19+$0x50];
	[tilespmem:v18+s29+$0x0] =	vst.idx.msk $0xffff, v17  }
0x229: {  	s6 =	simm.s32 $0x6;
	[tilespmem:s14+$0x15CC0] =	vst v19;
	v17 =	vld [tilespmem:s9+$0x60]  }
0x22a: {  	s2 =	simm.s32 $0x200;
	v18 =	vor.u32 v13, v15;
	[tilespmem:s14+$0x15C40] =	vst v21;
	v21 =	vor.u32 s6, v3;
	v19 =	vld.idx.msk [tilespmem:v22+s31+$0x0], $0xffff  }
0x22b: {  	[tilespmem:s2+$0x15C80] =	vst v23;
	v22 =	vld.idx.msk [tilespmem:v24+s31+$0x0], $0xffff  }
0x22c: {  	v23 =	vor.u32 s22, v9;
	[tilespmem:s2+$0x15C00] =	vst v16;
	v16 =	vld.idx.msk [tilespmem:v25+s31+$0x0], $0xffff  }
0x22d: {  	v24 =	vld.idx.msk [tilespmem:v28+s31+$0x0], $0xffff;
	v25 =	vor.u32 s23, v9;
	[tilespmem:v26+s29+$0x0] =	vst.idx.msk $0xffff, v27  }
0x22e: {  	v26 =	vor.u32 s15, v5;
	v27 =	vld [tilespmem:s19+$0x60]  }
0x22f: {  	v28 =	vor.u32 v13, v20;
	v21 =	vld.idx.msk [tilespmem:v21+s31+$0x0], $0xffff;
	[tilespmem:v18+s29+$0x0] =	vst.idx.msk $0xffff, v17;
	v17 =	vor.u32 s0, v5  }
0x230: {  	v15 =	vor.u32 v14, v15;
	[tilespmem:s14+$0x15CD0] =	vst v19;
	v18 =	vld [tilespmem:s9+$0x70]  }
0x231: {  	s20 =	simm.s32 $0x3;
	[tilespmem:s14+$0x15C50] =	vst v22;
	v19 =	vld.idx.msk [tilespmem:v23+s31+$0x0], $0xffff  }
0x232: {  	v22 =	vmov s20;
	v23 =	vor.u32 s22, v10;
	[tilespmem:s2+$0x15C90] =	vst v16;
	v16 =	vld.idx.msk [tilespmem:v25+s31+$0x0], $0xffff  }
0x233: {  	s21 =	simm.s32 $0x180;
	v22 =	vand.u32 $0x7F, v22;
	[tilespmem:s2+$0x15C10] =	vst v24;
	v25 =	vor.u32 s23, v10;
	v24 =	vld.idx.msk [tilespmem:v26+s31+$0x0], $0xffff  }
0x234: {  	s1 =	sand.u32 $0x380, s21;
	v22 =	vbroadcast v22, $0x0;
	v26 =	vor.u32 s15, v6;
	[tilespmem:v28+s29+$0x0] =	vst.idx.msk $0xffff, v27;
	v17 =	vld.idx.msk [tilespmem:v17+s31+$0x0], $0xffff  }
0x235: {  	v20 =	vor.u32 v14, v20;
	s9 =	sor.u32 s1, s17;
	v28 =	vld [tilespmem:s19+$0x70];
	[tilespmem:v15+s29+$0x0] =	vst.idx.msk $0xffff, v18;
	v15 =	vor.u32 s0, v6  }
0x236: {  	v27 =	vor.u32 v11, v22;
	[tilespmem:s14+$0x15CE0] =	vst v19;
	v18 =	vld [tilespmem:s9+$0x40]  }
0x237: {  	[tilespmem:s14+$0x15C60] =	vst v16;
	v16 =	vld.idx.msk [tilespmem:v23+s31+$0x0], $0xffff  }
0x238: {  	s25 =	simm.s32 $0x4;
	s22 =	simm.s32 $0x80;
	s23 =	simm.s32 $0x6;
	v19 =	vmov s11;
	[tilespmem:s2+$0x15CA0] =	vst v24;
	v23 =	vld.idx.msk [tilespmem:v25+s31+$0x0], $0xffff  }
0x239: {  	v29 =	vor.u32 s15, v7;
	s24 =	simm.s32 $0x400;
	s21 =	simm.s32 $0x300;
	s1 =	sand.u32 $0x280, s22;
	v19 =	vand.u32 $0x7D, v19;
	v25 =	vmov s23;
	v24 =	vld.idx.msk [tilespmem:v26+s31+$0x0], $0xffff;
	[tilespmem:s2+$0x15C20] =	vst v17  }
0x23a: {  	s22 =	simm.s32 $0x200;
	s20 =	sor.u32 s1, s17;
	s19 =	sand.u32 $0x7800, s24;
	v26 =	vmov s25;
	v25 =	vand.u32 $0x7E, v25;
	v17 =	vor.u32 s0, v7;
	[tilespmem:v20+s29+$0x0] =	vst.idx.msk $0xffff, v28;
	v15 =	vld.idx.msk [tilespmem:v15+s31+$0x0], $0xffff  }
0x23b: {  	s1 =	sadd.s32 $0x9C00, s19;
	s11 =	simm.s32 $0x7;
	s23 =	sand.u32 $0x300, s21;
	v20 =	vbroadcast v25, $0x0;
	[tilespmem:v27+s29+$0x0] =	vst.idx.msk $0xffff, v18;
	v18 =	vand.u32 $0x7C, v26;
	v26 =	vor.u32 v12, v22;
	v27 =	vld [tilespmem:s20+$0x40]  }
0x23c: {  	s16 =	sand.u32 $0x200, s22;
	s24 =	sor.u32 s23, s1;
	[tilespmem:s14+$0x15CF0] =	vst v16;
	v16 =	vbroadcast v19, $0x0;
	v19 =	vor.u32 s11, v3;
	v25 =	vld [tilespmem:s9+$0x50];
	v18 =	vbroadcast v18, $0x0  }
0x23d: {  	s16 =	sor.u32 s16, s1;
	v28 =	vor.u32 v11, v20;
	[tilespmem:s14+$0x15C70] =	vst v23;
	v23 =	vld [tilespmem:s24+$0x40]  }
0x23e: {  	[tilespmem:s2+$0x15CB0] =	vst v24;
	v24 =	vld [tilespmem:s16+$0x40];
	v30 =	vor.u32 v11, v18  }
0x23f: {  	s14 =	simm.s32 $0x300;
	v31 =	vor.u32 v11, v16;
	[tilespmem:s2+$0x15C30] =	vst v15;
	v15 =	vld.idx.msk [tilespmem:v29+s31+$0x0], $0xffff  }
0x240: {  	[tilespmem:s14+$0x15C00] =	vst v21;
	v17 =	vld.idx.msk [tilespmem:v17+s31+$0x0], $0xffff  }
0x241: {  	v19 =	vld.idx.msk [tilespmem:v19+s31+$0x0], $0xffff;
	[tilespmem:v26+s29+$0x0] =	vst.idx.msk $0xffff, v25;
	v25 =	vor.u32 s15, v8  }
0x242: {  	v29 =	vor.u32 v13, v22;
	[tilespmem:v28+s29+$0x0] =	vst.idx.msk $0xffff, v23;
	v23 =	vor.u32 s0, v8;
	v26 =	vld [tilespmem:s9+$0x60]  }
0x243: {  	v28 =	vor.u32 v12, v20;
	[tilespmem:v30+s29+$0x0] =	vst.idx.msk $0xffff, v24;
	v24 =	vld [tilespmem:s24+$0x50]  }
0x244: {  	[tilespmem:v31+s29+$0x0] =	vst.idx.msk $0xffff, v27;
	v27 =	vld [tilespmem:s16+$0x50]  }
0x245: {  	v55 =	vor.u32 s6, v4;
	v31 =	vor.u32 v12, v18;
	[tilespmem:s2+$0x15CC0] =	vst v15;
	v15 =	vld [tilespmem:s20+$0x50]  }
0x246: {  	v30 =	vor.u32 s11, v4;
	[tilespmem:s2+$0x15C40] =	vst v17;
	v25 =	vld.idx.msk [tilespmem:v25+s31+$0x0], $0xffff  }
0x247: {  	s17 =	simm.s32 $0x8;
	v23 =	vld.idx.msk [tilespmem:v23+s31+$0x0], $0xffff;
	[tilespmem:v29+s29+$0x0] =	vst.idx.msk $0xffff, v26  }
0x248: {  	v22 =	vor.u32 v14, v22;
	v26 =	vor.u32 s17, v3;
	v17 =	vld [tilespmem:s9+$0x70];
	[tilespmem:v28+s29+$0x0] =	vst.idx.msk $0xffff, v24  }
0x249: {  	[tilespmem:s14+$0x15C80] =	vst v19;
	v19 =	vor.u32 s15, v9;
	v28 =	vor.u32 v13, v20;
	v24 =	vld [tilespmem:s24+$0x60]  }
0x24a: {  	v29 =	vld.idx.msk [tilespmem:v55+s31+$0x0], $0xffff;
	[tilespmem:v31+s29+$0x0] =	vst.idx.msk $0xffff, v27  }
0x24b: {  	v21 =	vld.idx.msk [tilespmem:v30+s31+$0x0], $0xffff;
	v30 =	vor.u32 s0, v9;
	[tilespmem:s2+$0x15CD0] =	vst v25  }
0x24c: {  	v27 =	vor.u32 s11, v5;
	v31 =	vld [tilespmem:s16+$0x60];
	v25 =	vor.u32 v12, v16;
	[tilespmem:s2+$0x15C50] =	vst v23  }
0x24d: {  	[tilespmem:v22+s29+$0x0] =	vst.idx.msk $0xffff, v17;
	v17 =	vor.u32 v13, v18;
	v22 =	vld.idx.msk [tilespmem:v26+s31+$0x0], $0xffff;
	v26 =	vor.u32 s6, v5  }
0x24e: {  	v19 =	vld.idx.msk [tilespmem:v19+s31+$0x0], $0xffff;
	[tilespmem:v28+s29+$0x0] =	vst.idx.msk $0xffff, v24  }
0x24f: {  	v20 =	vor.u32 v14, v20;
	[tilespmem:s14+$0x15C10] =	vst v29;
	v23 =	vld [tilespmem:s24+$0x70]  }
0x250: {  	s25 =	simm.s32 $0x7;
	[tilespmem:s14+$0x15C90] =	vst v21;
	v24 =	vld.idx.msk [tilespmem:v30+s31+$0x0], $0xffff  }
0x251: {  	v21 =	vmov s25;
	v27 =	vld.idx.msk [tilespmem:v27+s31+$0x0], $0xffff;
	v28 =	vor.u32 s15, v10;
	[tilespmem:v25+s29+$0x0] =	vst.idx.msk $0xffff, v15  }
0x252: {  	s9 =	simm.s32 $0x380;
	v30 =	vor.u32 s11, v6;
	v26 =	vld.idx.msk [tilespmem:v26+s31+$0x0], $0xffff;
	[tilespmem:v17+s29+$0x0] =	vst.idx.msk $0xffff, v31;
	v17 =	vand.u32 $0x7F, v21  }
0x253: {  	v29 =	vor.u32 s0, v10;
	s0 =	sand.u32 $0x380, s9;
	v25 =	vor.u32 v14, v18;
	[tilespmem:s2+$0x15CE0] =	vst v19;
	v31 =	vld [tilespmem:s16+$0x70];
	v21 =	vbroadcast v17, $0x0  }
0x254: {  	v56 =	vor.u32 s6, v6;
	v57 =	vor.u32 v13, v16;
	s19 =	sor.u32 s0, s1;
	[tilespmem:v20+s29+$0x0] =	vst.idx.msk $0xffff, v23;
	v20 =	vld [tilespmem:s20+$0x60]  }
0x255: {  	s15 =	simm.s32 $0x5;
	[tilespmem:s2+$0x15C60] =	vst v24;
	v19 =	vld [tilespmem:s19+$0x40];
	v23 =	vor.u32 v11, v21  }
0x256: {  	v15 =	vmov s15;
	v28 =	vld.idx.msk [tilespmem:v28+s31+$0x0], $0xffff;
	[tilespmem:s14+$0x15CA0] =	vst v27  }
0x257: {  	v15 =	vand.u32 $0x7D, v15;
	s16 =	simm.s32 $0x280;
	v59 =	vld.idx.msk [tilespmem:v30+s31+$0x0], $0xffff;
	[tilespmem:s14+$0x15C20] =	vst v26  }
0x258: {  	v61 =	vor.u32 s11, v7;
	v15 =	vbroadcast v15, $0x0;
	v58 =	vld.idx.msk [tilespmem:v29+s31+$0x0], $0xffff;
	s0 =	sand.u32 $0x280, s16;
	[tilespmem:v25+s29+$0x0] =	vst.idx.msk $0xffff, v31  }
0x259: {  	s22 =	simm.s32 $0xA;
	v18 =	vor.u32 v14, v16;
	s0 =	sor.u32 s0, s1;
	v60 =	vld.idx.msk [tilespmem:v56+s31+$0x0], $0xffff;
	[tilespmem:v57+s29+$0x0] =	vst.idx.msk $0xffff, v20  }
0x25a: {  	s18 =	simm.s32 $0x800;
	s15 =	simm.s32 $0x8;
	v24 =	vor.u32 v11, v15;
	v17 =	vor.u32 v12, v15;
	v29 =	vld [tilespmem:s0+$0x40];
	[tilespmem:v23+s29+$0x0] =	vst.idx.msk $0xffff, v19;
	v23 =	vmov s22  }
0x25b: {  	s21 =	simm.s32 $0x9;
	s9 =	sand.u32 $0x7800, s18;
	s16 =	simm.s32 $0x500;
	v34 =	vor.u32 v12, v21;
	v26 =	vmov s15;
	v27 =	vld [tilespmem:s20+$0x70];
	v20 =	vand.u32 $0x7E, v23  }
0x25c: {  	s23 =	simm.s32 $0x400;
	s18 =	sadd.s32 $0x9C00, s9;
	s24 =	sand.u32 $0x300, s16;
	v25 =	vand.u32 $0x7C, v26;
	v31 =	vor.u32 s6, v7;
	[tilespmem:s14+$0x15CB0] =	vst v59;
	v32 =	vld [tilespmem:s19+$0x50];
	v23 =	vbroadcast v20, $0x0  }
0x25d: {  	v16 =	vor.u32 v13, v15;
	s1 =	sand.u32 $0x200, s23;
	[tilespmem:s2+$0x15CF0] =	vst v28;
	v62 =	vbroadcast v25, $0x0;
	v19 =	vmov s21;
	s21 =	sor.u32 s24, s18;
	s24 =	simm.s32 $0x9;
	v37 =	vld.idx.msk [tilespmem:v61+s31+$0x0], $0xffff  }
0x25e: {  	s25 =	simm.s32 $0x480;
	[tilespmem:s2+$0x15C70] =	vst v58;
	s20 =	sor.u32 s1, s18;
	v63 =	vand.u32 $0x7D, v19;
	v33 =	vld [tilespmem:s21+$0x40];
	v38 =	vor.u32 s24, v3;
	v36 =	vor.u32 v11, v23  }
0x25f: {  	v15 =	vor.u32 v14, v15;
	s23 =	simm.s32 $0xC00;
	s1 =	sand.u32 $0x280, s25;
	v30 =	vor.u32 v11, v62;
	v35 =	vld [tilespmem:s20+$0x40];
	v20 =	vbroadcast v63, $0x0  }
0x260: {  	s25 =	simm.s32 $0xA;
	s22 =	simm.s32 $0xC00;
	v26 =	vor.u32 v12, v62;
	v25 =	vor.u32 v13, v62;
	v19 =	vor.u32 v14, v62;
	s2 =	sor.u32 s1, s18;
	[tilespmem:s14+$0x15C30] =	vst v60  }
.LBB2_5:
0x261: {  	p0 =	slt.u32 s25, $0x3E;
	v31 =	vld.idx.msk [tilespmem:v31+s31+$0x0], $0xffff;
	v39 =	vor.u32 v11, v20;
	v40 =	vor.u32 v12, v20;
	[tilespmem:v34+s29+$0x0] =	vst.idx.msk $0xffff, v32  }
0x262: {  	v32 =	vor.u32 s11, v8;
	v28 =	vor.u32 v13, v20;
	v34 =	vor.u32 v13, v21;
	[tilespmem:v24+s29+$0x0] =	vst.idx.msk $0xffff, v29;
	v29 =	vld [tilespmem:s19+$0x60]  }
0x263: {  	v20 =	vor.u32 v14, v20;
	v24 =	vmov v39;
	v38 =	vld.idx.msk [tilespmem:v38+s31+$0x0], $0xffff;
	[tilespmem:v36+s29+$0x0] =	vst.idx.msk $0xffff, v33  }
0x264: {  	v33 =	vor.u32 s6, v8;
	[tilespmem:v30+s29+$0x0] =	vst.idx.msk $0xffff, v35;
	v30 =	vld [tilespmem:s21+$0x50];
	v35 =	vor.u32 v12, v23  }
0x265: {  	v36 =	vld [tilespmem:s20+$0x50];
	[tilespmem:v18+s29+$0x0] =	vst.idx.msk $0xffff, v27;
	v18 =	vmov v15;
	v15 =	vmov v20  }
0x266: {  	v20 =	vor.u32 s24, v4;
	[tilespmem:s14+$0x15CC0] =	vst v37;
	v27 =	vld [tilespmem:s0+$0x50]  }
0x267: {  	v37 =	vor.u32 s17, v4;
	v32 =	vld.idx.msk [tilespmem:v32+s31+$0x0], $0xffff;
	[tilespmem:v34+s29+$0x0] =	vst.idx.msk $0xffff, v29  }
0x268: {  	s23 =	sadd.s32 $0x400, s23;
	v21 =	vor.u32 v14, v21;
	[tilespmem:s14+$0x15C40] =	vst v31;
	v29 =	vld [tilespmem:s19+$0x70]  }
0x269: {  	s1 =	sshra.s32 s23, $0x2;
	v31 =	vor.u32 s25, v3;
	v33 =	vld.idx.msk [tilespmem:v33+s31+$0x0], $0xffff;
	[tilespmem:v35+s29+$0x0] =	vst.idx.msk $0xffff, v30  }
0x26a: {  	v30 =	vor.u32 s11, v9;
	v35 =	vor.u32 v13, v23;
	[tilespmem:s1+$0x15C80] =	vst v38;
	v34 =	vld [tilespmem:s21+$0x60]  }
0x26b: {  	[tilespmem:s1+$0x15C00] =	vst v22;
	v20 =	vld.idx.msk [tilespmem:v20+s31+$0x0], $0xffff  }
0x26c: {  	v38 =	vor.u32 s6, v9;
	v37 =	vld.idx.msk [tilespmem:v37+s31+$0x0], $0xffff;
	[tilespmem:v26+s29+$0x0] =	vst.idx.msk $0xffff, v36  }
0x26d: {  	v26 =	vor.u32 s24, v5;
	v36 =	vld [tilespmem:s20+$0x60];
	[tilespmem:v21+s29+$0x0] =	vst.idx.msk $0xffff, v29  }
0x26e: {  	v21 =	vor.u32 s17, v5;
	v22 =	vld.idx.msk [tilespmem:v31+s31+$0x0], $0xffff;
	[tilespmem:s14+$0x15CD0] =	vst v32  }
0x26f: {  	v29 =	vld.idx.msk [tilespmem:v30+s31+$0x0], $0xffff;
	[tilespmem:v35+s29+$0x0] =	vst.idx.msk $0xffff, v34  }
0x270: {  	v23 =	vor.u32 v14, v23;
	[tilespmem:s14+$0x15C50] =	vst v33;
	v30 =	vld [tilespmem:s21+$0x70]  }
0x271: {  	s9 =	sadd.s32 $0x3, s15;
	[tilespmem:s1+$0x15C90] =	vst v20;
	v20 =	vld.idx.msk [tilespmem:v38+s31+$0x0], $0xffff  }
0x272: {  	v31 =	vor.u32 s11, v10;
	v32 =	vmov s9;
	s11 =	smov.u32 s24;
	[tilespmem:s1+$0x15C10] =	vst v37;
	v26 =	vld.idx.msk [tilespmem:v26+s31+$0x0], $0xffff  }
0x273: {  	s9 =	sadd.s32 $0x80, s16;
	v34 =	vor.u32 s6, v10;
	s6 =	smov.u32 s17;
	s17 =	smov.u32 s25;
	v33 =	vld.idx.msk [tilespmem:v21+s31+$0x0], $0xffff;
	[tilespmem:v25+s29+$0x0] =	vst.idx.msk $0xffff, v36;
	v21 =	vand.u32 $0x7F, v32  }
0x274: {  	s9 =	sand.u32 $0x380, s9;
	v25 =	vor.u32 s11, v6;
	v32 =	vld [tilespmem:s20+$0x70];
	v21 =	vbroadcast v21, $0x0;
	[tilespmem:v17+s29+$0x0] =	vst.idx.msk $0xffff, v27;
	v17 =	vmov v40  }
0x275: {  	s19 =	sor.u32 s9, s18;
	v27 =	vor.u32 s6, v6;
	[tilespmem:v23+s29+$0x0] =	vst.idx.msk $0xffff, v30;
	v30 =	vld [tilespmem:s0+$0x60]  }
0x276: {  	[tilespmem:s14+$0x15CE0] =	vst v29;
	v23 =	vld [tilespmem:s19+$0x40];
	v35 =	vor.u32 v11, v21  }
0x277: {  	[tilespmem:s14+$0x15C60] =	vst v20;
	v20 =	vld.idx.msk [tilespmem:v31+s31+$0x0], $0xffff  }
0x278: {  	s15 =	sadd.s32 $0x4, s15;
	[tilespmem:s1+$0x15CA0] =	vst v26;
	v36 =	vld.idx.msk [tilespmem:v34+s31+$0x0], $0xffff  }
0x279: {  	s9 =	sadd.s32 $0x1, s15;
	s18 =	sadd.s32 $0x2, s15;
	v31 =	vor.u32 s6, v7;
	[tilespmem:s1+$0x15C20] =	vst v33;
	v37 =	vld.idx.msk [tilespmem:v25+s31+$0x0], $0xffff;
	v25 =	vmov s15  }
0x27a: {  	s16 =	sadd.s32 $0x200, s16;
	v26 =	vmov s9;
	v39 =	vld.idx.msk [tilespmem:v27+s31+$0x0], $0xffff;
	v25 =	vand.u32 $0x7C, v25;
	v27 =	vmov s18;
	[tilespmem:v19+s29+$0x0] =	vst.idx.msk $0xffff, v32  }
0x27b: {  	v40 =	vor.u32 s11, v7;
	s20 =	sadd.s32 $0xFFFFFF00, s16;
	s9 =	sand.u32 $0x7800, s22;
	s22 =	smov.u32 s23;
	v19 =	vbroadcast v25, $0x0;
	v25 =	vand.u32 $0x7E, v27;
	v29 =	vld [tilespmem:s2+$0x40];
	[tilespmem:v35+s29+$0x0] =	vst.idx.msk $0xffff, v23  }
.Ltmp1:
0x27c: {  	v34 =	vor.u32 v12, v21;
	v41 =	vand.u32 $0x7D, v26;
	s18 =	sadd.s32 $0x9C00, s9;
	s9 =	sand.u32 $0x300, s16;
	v23 =	vbroadcast v25, $0x0;
	v32 =	vld [tilespmem:s19+$0x50];
	[tilespmem:v16+s29+$0x0] =	vst.idx.msk $0xffff, v30;
	(pc) =	sbr.rel @p0 .LBB2_5-.Ltmp1, $4  }
0x27d: {  	s24 =	sadd.s32 $0x1, s25;
	s20 =	sand.u32 $0x200, s20;
	s21 =	sor.u32 s9, s18;
	v30 =	vor.u32 v11, v19;
	v26 =	vor.u32 v12, v19;
	v25 =	vor.u32 v13, v19;
	[tilespmem:s14+$0x15CF0] =	vst v20;
	v27 =	vld [tilespmem:s0+$0x70]  }
0x27e: {  	v38 =	vor.u32 s24, v3;
	s20 =	sor.u32 s20, s18;
	v16 =	vmovc v28;
	v19 =	vor.u32 v14, v19;
	s0 =	sadd.s32 $0xFFFFFF80, s16;
	[tilespmem:s14+$0x15C70] =	vst v36;
	v33 =	vld [tilespmem:s21+$0x40];
	v36 =	vor.u32 v11, v23;
	s14 =	smov.u32 s1  }
0x27f: {  	v20 =	vbroadcast v41, $0x0;
	s1 =	sand.u32 $0x280, s0;
	s0 =	smov.u32 s2;
	[tilespmem:s14+$0x15CB0] =	vst v37;
	v35 =	vld [tilespmem:s20+$0x40]  }
0x280: {  	s25 =	sadd.s32 $0x2, s25;
	s2 =	sor.u32 s1, s18;
	[tilespmem:s14+$0x15C30] =	vst v39;
	v37 =	vld.idx.msk [tilespmem:v40+s31+$0x0], $0xffff  }
0x281: {  	_ =	sdelay $0x3  }
0x282: {  	v28 =	vld.idx.msk [tilespmem:v38+s31+$0x0], $0xffff;
	v39 =	vor.u32 s17, v4  }
0x283: {  	v61 =	vor.u32 s24, v4  }
0x284: {  	s9 =	sadd.s32 $0x400, s23  }
0x285: {  	s25 =	sshra.s32 s9, $0x2  }
0x286: {  	[tilespmem:s25+$0x15C00] =	vst v22  }
0x287: {  	[tilespmem:s25+$0x15C80] =	vst v28;
	v63 =	vld.idx.msk [tilespmem:v39+s31+$0x0], $0xffff  }
0x288: {  	v43 =	vor.u32 s17, v5;
	v62 =	vld.idx.msk [tilespmem:v61+s31+$0x0], $0xffff  }
0x289: {  	v42 =	vor.u32 s24, v5;
	_ =	sdelay $0x2  }
0x28a: {  	[tilespmem:s25+$0x15C10] =	vst v63  }
0x28b: {  	[tilespmem:s25+$0x15C90] =	vst v62;
	v28 =	vld.idx.msk [tilespmem:v43+s31+$0x0], $0xffff  }
0x28c: {  	v45 =	vor.u32 s17, v6;
	v22 =	vld.idx.msk [tilespmem:v42+s31+$0x0], $0xffff  }
0x28d: {  	v44 =	vor.u32 s24, v6;
	_ =	sdelay $0x2  }
0x28e: {  	[tilespmem:s25+$0x15C20] =	vst v28  }
0x28f: {  	[tilespmem:s25+$0x15CA0] =	vst v22;
	v28 =	vld.idx.msk [tilespmem:v45+s31+$0x0], $0xffff  }
0x290: {  	v47 =	vor.u32 s17, v7;
	v22 =	vld.idx.msk [tilespmem:v44+s31+$0x0], $0xffff  }
0x291: {  	v46 =	vor.u32 s24, v7;
	_ =	sdelay $0x2  }
0x292: {  	v31 =	vld.idx.msk [tilespmem:v31+s31+$0x0], $0xffff;
	v40 =	vor.u32 s11, v8;
	[tilespmem:s25+$0x15C30] =	vst v28  }
0x293: {  	v48 =	vor.u32 s6, v8;
	[tilespmem:s25+$0x15CB0] =	vst v22;
	v50 =	vld.idx.msk [tilespmem:v47+s31+$0x0], $0xffff  }
0x294: {  	v41 =	vor.u32 s17, v8;
	v49 =	vld.idx.msk [tilespmem:v46+s31+$0x0], $0xffff  }
0x295: {  	v51 =	vor.u32 s24, v8;
	[tilespmem:v34+s29+$0x0] =	vst.idx.msk $0xffff, v32  }
0x296: {  	[tilespmem:s14+$0x15CC0] =	vst v37  }
0x297: {  	[tilespmem:s14+$0x15C40] =	vst v31;
	v52 =	vld.idx.msk [tilespmem:v40+s31+$0x0], $0xffff  }
0x298: {  	v53 =	vor.u32 s11, v9;
	v22 =	vld.idx.msk [tilespmem:v48+s31+$0x0], $0xffff;
	[tilespmem:s25+$0x15C40] =	vst v50  }
0x299: {  	v54 =	vor.u32 s6, v9;
	[tilespmem:s25+$0x15CC0] =	vst v49;
	v56 =	vld.idx.msk [tilespmem:v41+s31+$0x0], $0xffff  }
0x29a: {  	[tilespmem:v24+s29+$0x0] =	vst.idx.msk $0xffff, v29;
	v58 =	vor.u32 s17, v9;
	v55 =	vld.idx.msk [tilespmem:v51+s31+$0x0], $0xffff  }
0x29b: {  	v57 =	vor.u32 s24, v9;
	[tilespmem:v18+s29+$0x0] =	vst.idx.msk $0xffff, v27  }
0x29c: {  	[tilespmem:s14+$0x15CD0] =	vst v52  }
0x29d: {  	v28 =	vld.idx.msk [tilespmem:v53+s31+$0x0], $0xffff;
	[tilespmem:s14+$0x15C50] =	vst v22  }
0x29e: {  	v59 =	vor.u32 s11, v10;
	v22 =	vld.idx.msk [tilespmem:v54+s31+$0x0], $0xffff;
	[tilespmem:s25+$0x15C50] =	vst v56  }
0x29f: {  	v60 =	vor.u32 s6, v10;
	[tilespmem:s25+$0x15CD0] =	vst v55;
	v24 =	vld.idx.msk [tilespmem:v58+s31+$0x0], $0xffff  }
0x2a0: {  	[tilespmem:v36+s29+$0x0] =	vst.idx.msk $0xffff, v33;
	v40 =	vor.u32 s17, v10;
	v34 =	vld.idx.msk [tilespmem:v57+s31+$0x0], $0xffff  }
0x2a1: {  	[tilespmem:v30+s29+$0x0] =	vst.idx.msk $0xffff, v35;
	v61 =	vor.u32 s24, v10;
	v63 =	vor.u32 v13, v21;
	v62 =	vld [tilespmem:s19+$0x60]  }
0x2a2: {  	v38 =	vld [tilespmem:s0+$0x50];
	[tilespmem:s14+$0x15CE0] =	vst v28  }
0x2a3: {  	v43 =	vld.idx.msk [tilespmem:v59+s31+$0x0], $0xffff;
	[tilespmem:s14+$0x15C60] =	vst v22  }
0x2a4: {  	s23 =	sadd.s32 $0x4, s15;
	v44 =	vld.idx.msk [tilespmem:v60+s31+$0x0], $0xffff;
	[tilespmem:s25+$0x15C60] =	vst v24  }
0x2a5: {  	s1 =	sadd.s32 $0x2, s23;
	[tilespmem:s25+$0x15CE0] =	vst v34;
	v46 =	vld.idx.msk [tilespmem:v40+s31+$0x0], $0xffff  }
0x2a6: {  	s11 =	sadd.s32 $0x200, s16;
	s24 =	sand.u32 $0x7800, s22;
	v42 =	vor.u32 v12, v23;
	[tilespmem:v63+s29+$0x0] =	vst.idx.msk $0xffff, v62;
	v48 =	vmov s1;
	s1 =	sadd.s32 $0x4, s23;
	v45 =	vld.idx.msk [tilespmem:v61+s31+$0x0], $0xffff  }
0x2a7: {  	s17 =	sadd.s32 $0xFFFFFF00, s11;
	[tilespmem:v17+s29+$0x0] =	vst.idx.msk $0xffff, v38;
	s6 =	sadd.s32 $0x9C00, s24;
	v52 =	vld [tilespmem:s19+$0x70];
	v47 =	vor.u32 v14, v21;
	v30 =	vand.u32 $0x7E, v48;
	s24 =	sadd.s32 $0x2, s1;
	v51 =	vmov s23  }
0x2a8: {  	s9 =	sand.u32 $0x7800, s9;
	s22 =	sand.u32 $0x300, s11;
	s17 =	sand.u32 $0x200, s17;
	v30 =	vbroadcast v30, $0x0;
	v53 =	vmov s24;
	v41 =	vld [tilespmem:s21+$0x50];
	v33 =	vand.u32 $0x7C, v51;
	[tilespmem:s14+$0x15CF0] =	vst v43  }
0x2a9: {  	s22 =	sor.u32 s22, s6;
	s19 =	sor.u32 s17, s6;
	s17 =	sadd.s32 $0x200, s11;
	v28 =	vand.u32 $0x7E, v53;
	v49 =	vld [tilespmem:s20+$0x50];
	v33 =	vbroadcast v33, $0x0;
	v55 =	vmov s1;
	[tilespmem:s14+$0x15C70] =	vst v44  }
0x2aa: {  	s24 =	sadd.s32 $0xFFFFFF00, s17;
	v28 =	vbroadcast v28, $0x0;
	v56 =	vld [tilespmem:s22+$0x40];
	v57 =	vor.u32 v11, v30;
	v35 =	vand.u32 $0x7C, v55;
	s14 =	sadd.s32 $0x9C00, s9;
	s9 =	sand.u32 $0x300, s17;
	[tilespmem:s25+$0x15C70] =	vst v46  }
0x2ab: {  	v58 =	vor.u32 v11, v33;
	v29 =	vbroadcast v35, $0x0;
	v59 =	vld [tilespmem:s19+$0x40];
	[tilespmem:s25+$0x15CF0] =	vst v45;
	s25 =	sand.u32 $0x200, s24;
	s24 =	sor.u32 s9, s14  }
0x2ac: {  	[tilespmem:v47+s29+$0x0] =	vst.idx.msk $0xffff, v52;
	v61 =	vor.u32 v11, v28;
	s9 =	sor.u32 s25, s14;
	v60 =	vld [tilespmem:s24+$0x40]  }
0x2ad: {  	[tilespmem:v42+s29+$0x0] =	vst.idx.msk $0xffff, v41;
	v62 =	vor.u32 v11, v29;
	v63 =	vld [tilespmem:s9+$0x40]  }
0x2ae: {  	v50 =	vor.u32 v13, v23;
	[tilespmem:v26+s29+$0x0] =	vst.idx.msk $0xffff, v49;
	v54 =	vld [tilespmem:s21+$0x60]  }
0x2af: {  	v37 =	vld [tilespmem:s20+$0x60];
	[tilespmem:v57+s29+$0x0] =	vst.idx.msk $0xffff, v56  }
0x2b0: {  	v40 =	vor.u32 v12, v30;
	v39 =	vld [tilespmem:s22+$0x50];
	[tilespmem:v58+s29+$0x0] =	vst.idx.msk $0xffff, v59  }
0x2b1: {  	v41 =	vor.u32 v12, v33;
	v42 =	vld [tilespmem:s19+$0x50];
	[tilespmem:v61+s29+$0x0] =	vst.idx.msk $0xffff, v60  }
0x2b2: {  	v44 =	vor.u32 v12, v28;
	[tilespmem:v62+s29+$0x0] =	vst.idx.msk $0xffff, v63;
	v43 =	vld [tilespmem:s24+$0x50]  }
0x2b3: {  	[tilespmem:v50+s29+$0x0] =	vst.idx.msk $0xffff, v54;
	v45 =	vor.u32 v12, v29;
	v46 =	vld [tilespmem:s9+$0x50]  }
0x2b4: {  	v48 =	vor.u32 v14, v23;
	[tilespmem:v25+s29+$0x0] =	vst.idx.msk $0xffff, v37;
	v47 =	vld [tilespmem:s21+$0x70]  }
0x2b5: {  	v49 =	vld [tilespmem:s20+$0x70];
	[tilespmem:v40+s29+$0x0] =	vst.idx.msk $0xffff, v39  }
0x2b6: {  	v51 =	vor.u32 v13, v30;
	s20 =	sadd.s32 $0x3, s15;
	v24 =	vld [tilespmem:s22+$0x60];
	[tilespmem:v41+s29+$0x0] =	vst.idx.msk $0xffff, v42  }
0x2b7: {  	v52 =	vor.u32 v13, v33;
	v50 =	vmov s20;
	v34 =	vld [tilespmem:s19+$0x60];
	[tilespmem:v44+s29+$0x0] =	vst.idx.msk $0xffff, v43  }
0x2b8: {  	v53 =	vor.u32 v13, v28;
	s21 =	sadd.s32 $0x80, s16;
	v18 =	vand.u32 $0x7F, v50;
	v21 =	vld [tilespmem:s24+$0x60];
	[tilespmem:v45+s29+$0x0] =	vst.idx.msk $0xffff, v46  }
0x2b9: {  	v54 =	vor.u32 v13, v29;
	s15 =	sand.u32 $0x380, s21;
	v18 =	vbroadcast v18, $0x0;
	[tilespmem:v48+s29+$0x0] =	vst.idx.msk $0xffff, v47;
	v25 =	vld [tilespmem:s9+$0x60]  }
0x2ba: {  	v57 =	vld [tilespmem:s0+$0x60];
	s15 =	sor.u32 s15, s18;
	[tilespmem:v19+s29+$0x0] =	vst.idx.msk $0xffff, v49  }
0x2bb: {  	v56 =	vor.u32 v11, v18;
	v55 =	vld [tilespmem:s15+$0x40];
	[tilespmem:v51+s29+$0x0] =	vst.idx.msk $0xffff, v24  }
0x2bc: {  	v59 =	vor.u32 v14, v30;
	v58 =	vld [tilespmem:s22+$0x70];
	[tilespmem:v52+s29+$0x0] =	vst.idx.msk $0xffff, v34  }
0x2bd: {  	v61 =	vor.u32 v14, v33;
	s22 =	sadd.s32 $0x1, s23;
	s23 =	sadd.s32 $0x3, s23;
	v62 =	vld [tilespmem:s19+$0x70];
	[tilespmem:v53+s29+$0x0] =	vst.idx.msk $0xffff, v21  }
0x2be: {  	v38 =	vor.u32 v14, v29;
	v28 =	vor.u32 v14, v28;
	s25 =	sadd.s32 $0x3, s1;
	v36 =	vmov s23;
	v37 =	vld [tilespmem:s24+$0x70];
	[tilespmem:v54+s29+$0x0] =	vst.idx.msk $0xffff, v25  }
0x2bf: {  	[tilespmem:v16+s29+$0x0] =	vst.idx.msk $0xffff, v57;
	v41 =	vmov s25;
	v63 =	vmov s22;
	v22 =	vand.u32 $0x7F, v36;
	s24 =	sadd.s32 $0x80, s11;
	v25 =	vld [tilespmem:s9+$0x70]  }
0x2c0: {  	[tilespmem:v56+s29+$0x0] =	vst.idx.msk $0xffff, v55;
	v42 =	vld [tilespmem:s2+$0x40];
	v60 =	vor.u32 v11, v20;
	v40 =	vbroadcast v22, $0x0;
	s19 =	sadd.s32 $0x1, s1;
	v21 =	vand.u32 $0x7D, v63;
	s11 =	sadd.s32 $0xFFFFFF80, s11;
	s16 =	sand.u32 $0x380, s24  }
0x2c1: {  	s21 =	sadd.s32 $0x80, s17;
	v48 =	vld [tilespmem:s0+$0x70];
	v17 =	vand.u32 $0x7F, v41;
	[tilespmem:v59+s29+$0x0] =	vst.idx.msk $0xffff, v58;
	v43 =	vmov s19;
	v21 =	vbroadcast v21, $0x0;
	s9 =	sand.u32 $0x280, s11;
	s20 =	sor.u32 s16, s6  }
0x2c2: {  	v17 =	vbroadcast v17, $0x0;
	s22 =	sadd.s32 $0xFFFFFF80, s17;
	v44 =	vor.u32 v11, v40;
	v19 =	vand.u32 $0x7D, v43;
	[tilespmem:v61+s29+$0x0] =	vst.idx.msk $0xffff, v62;
	s11 =	sand.u32 $0x380, s21;
	s6 =	sor.u32 s9, s6;
	v24 =	vld [tilespmem:s20+$0x40]  }
0x2c3: {  	v19 =	vbroadcast v19, $0x0;
	v45 =	vor.u32 v11, v21;
	s9 =	sand.u32 $0x280, s22;
	s11 =	sor.u32 s11, s14;
	v32 =	vld [tilespmem:s6+$0x40];
	[tilespmem:v28+s29+$0x0] =	vst.idx.msk $0xffff, v37  }
0x2c4: {  	v46 =	vor.u32 v11, v17;
	s9 =	sor.u32 s9, s14;
	v28 =	vld [tilespmem:s11+$0x40];
	[tilespmem:v38+s29+$0x0] =	vst.idx.msk $0xffff, v25  }
0x2c5: {  	[tilespmem:v60+s29+$0x0] =	vst.idx.msk $0xffff, v42;
	v47 =	vor.u32 v11, v19;
	v25 =	vld [tilespmem:s9+$0x40]  }
0x2c6: {  	v49 =	vor.u32 v12, v20;
	[tilespmem:v15+s29+$0x0] =	vst.idx.msk $0xffff, v48;
	v27 =	vld [tilespmem:s2+$0x50]  }
0x2c7: {  	v39 =	vor.u32 v12, v18;
	v26 =	vld [tilespmem:s15+$0x50];
	[tilespmem:v44+s29+$0x0] =	vst.idx.msk $0xffff, v24  }
0x2c8: {  	v50 =	vor.u32 v12, v40;
	[tilespmem:v45+s29+$0x0] =	vst.idx.msk $0xffff, v32;
	v24 =	vld [tilespmem:s20+$0x50]  }
0x2c9: {  	v51 =	vor.u32 v12, v21;
	v52 =	vld [tilespmem:s6+$0x50];
	[tilespmem:v46+s29+$0x0] =	vst.idx.msk $0xffff, v28  }
0x2ca: {  	v53 =	vor.u32 v12, v17;
	v28 =	vld [tilespmem:s11+$0x50];
	[tilespmem:v47+s29+$0x0] =	vst.idx.msk $0xffff, v25  }
0x2cb: {  	v15 =	vor.u32 v12, v19;
	[tilespmem:v49+s29+$0x0] =	vst.idx.msk $0xffff, v27;
	v23 =	vld [tilespmem:s9+$0x50]  }
0x2cc: {  	v56 =	vor.u32 v13, v20;
	[tilespmem:v39+s29+$0x0] =	vst.idx.msk $0xffff, v26;
	v27 =	vld [tilespmem:s2+$0x60]  }
0x2cd: {  	v55 =	vor.u32 v13, v18;
	v54 =	vld [tilespmem:s15+$0x60];
	[tilespmem:v50+s29+$0x0] =	vst.idx.msk $0xffff, v24  }
0x2ce: {  	v57 =	vor.u32 v13, v40;
	[tilespmem:v51+s29+$0x0] =	vst.idx.msk $0xffff, v52;
	v24 =	vld [tilespmem:s20+$0x60]  }
0x2cf: {  	v58 =	vor.u32 v13, v21;
	v31 =	vld [tilespmem:s6+$0x60];
	[tilespmem:v53+s29+$0x0] =	vst.idx.msk $0xffff, v28  }
0x2d0: {  	v59 =	vor.u32 v13, v17;
	v28 =	vld [tilespmem:s11+$0x60];
	[tilespmem:v15+s29+$0x0] =	vst.idx.msk $0xffff, v23  }
0x2d1: {  	[tilespmem:v56+s29+$0x0] =	vst.idx.msk $0xffff, v27;
	v15 =	vor.u32 v13, v19;
	v23 =	vld [tilespmem:s9+$0x60]  }
0x2d2: {  	v60 =	vor.u32 v14, v20;
	[tilespmem:v55+s29+$0x0] =	vst.idx.msk $0xffff, v54;
	v22 =	vld [tilespmem:s2+$0x70]  }
0x2d3: {  	v18 =	vor.u32 v14, v18;
	v25 =	vld [tilespmem:s15+$0x70];
	[tilespmem:v57+s29+$0x0] =	vst.idx.msk $0xffff, v24  }
0x2d4: {  	v16 =	vor.u32 v14, v40;
	[tilespmem:v58+s29+$0x0] =	vst.idx.msk $0xffff, v31;
	v24 =	vld [tilespmem:s20+$0x70]  }
0x2d5: {  	v21 =	vor.u32 v14, v21;
	v61 =	vld [tilespmem:s6+$0x70];
	[tilespmem:v59+s29+$0x0] =	vst.idx.msk $0xffff, v28  }
0x2d6: {  	v17 =	vor.u32 v14, v17;
	v62 =	vld [tilespmem:s11+$0x70];
	[tilespmem:v15+s29+$0x0] =	vst.idx.msk $0xffff, v23  }
0x2d7: {  	s12 =	sadd.s32 $0x1, s12;
	[tilespmem:v60+s29+$0x0] =	vst.idx.msk $0xffff, v22;
	v15 =	vor.u32 v14, v19;
	v63 =	vld [tilespmem:s9+$0x70]  }
0x2d8: {  	p0 =	sne.s32 s12, $0x19;
	[tilespmem:v18+s29+$0x0] =	vst.idx.msk $0xffff, v25  }
.Ltmp2:
0x2d9: {  	s23 =	sshll.u32 s7, $0x13;
	[tilespmem:v16+s29+$0x0] =	vst.idx.msk $0xffff, v24;
	(pc) =	sbr.rel @p0 .LBB2_2-.Ltmp2, $4  }
0x2da: {  	s0 =	sor.u32 s4, s23;
	[tilespmem:v21+s29+$0x0] =	vst.idx.msk $0xffff, v61  }
0x2db: {  	s0 =	sshrl.u32 s0, $0x3;
	s24 =	rddreg [dreg:$0x2];
	[tilespmem:v17+s29+$0x0] =	vst.idx.msk $0xffff, v62  }
0x2dc: {  	s25 =	simm.s32 $0x400;
	s0 =	sadd.s32 s24, s0;
	[tilespmem:v15+s29+$0x0] =	vst.idx.msk $0xffff, v63  }
0x2dd: {  	[hbm4b:s0+s25] =	stream.strided.scatter [tilespmem:s29], [sflag:$0x4], $0x4000, s10, s25, $0x38;
	[tilespmem:$0x19C00] =	vst v63  }
0x2de: {  	s0 =	simm.s32 $0x3  }
0x2df: {  	_ =	swait.ge [sflag:s0], $0x4000  }
0x2e0: {  	[sflag:s0] =	ssyncset.done $0x0  }
0x2e1: {  	[sflag:s0] =	ssyncadd.s32 $0xFFFFC000  }
0x2e2: {  	_ =	swait.ge [sflag:s8], $0x4000  }
0x2e3: {  	s1 =	rddreg [dreg:$0x7]  }
0x2e4: {  	s25 =	rddreg [dreg:$0x6];
	s1 =	sadd.s32 $0x1, s1  }
0x2e5: {  	p0 =	sne.s32 s1, s25  }
.Ltmp3:
0x2e6: {  	_ = 	snop;
	(pc) =	sbr.rel @p0 .LBB2_1-.Ltmp3, $3  }
0x2e7: {  	_ =	sdelay $0x1  }
0x2e8: {  	[sflag:s8] =	ssyncset.done $0x0  }
0x2e9: {  	[sflag:s8] =	ssyncadd.s32 $0xFFFFC000  }
0x2ea: {  	_ =	sfence.sel $0x180000  }
0x2eb: {  	[bflag:$0x0] =	sbarrier.arrive $0xFFFF  }
0x2ec: {  	_ =	strace $0x90000047  }
0x2ed: {  	s0 =	stileid.u32;
	[bflag:$0x2] =	sbarrier.arrive $0xFFFF  }
0x2ee: {  	p0 =	sne.s32 s0, $0x0;
	s0 =	rddreg [dreg:$0x3]  }
0x2ef: {  	s0 =	sadd.s32 @!p0 $0x100000, s0  }
0x2f0: {  	[sflag:s0] =	ssyncadd.tile.s32 @!p0 $0x1;
	_ =	shalt  }
.Lfunc_end2:
_tile_overlayer_lowered:
.L_overlay_start_2:
0x2f1: {  	(tag) =	ssettag $0x2  }
0x2f2: {  	s0 =	rddreg [dreg:$0x0];
	s2 =	stileid.u32  }
0x2f3: {  	s1 =	rddreg [dreg:$0x1];
	p0 =	sne.s32 s2, $0x0  }
0x2f4: {  	s3 =	rddreg [dreg:$0x2];
	[bflag:$0x3] =	sbarrier.arrive $0xFFFF;
	s2 =	simm.s32 @!p0 $0x1C05  }
0x2f5: {  	[timem:s3], [sflag:s2] =	dma.local @!p0 [hbm:s0], s1  }
0x2f6: {  	s0 =	simm.s32 @!p0 $0x5  }
0x2f7: {  	_ =	swait.ge @!p0 [sflag:s0], s1  }
0x2f8: {  	s1 =	ssub.s32 @!p0 $0x0, s1;
	[sflag:s0] =	ssyncset.done @!p0 $0x0  }
0x2f9: {  	[sflag:s0] =	ssyncadd.s32 @!p0 s1  }
0x2fa: {  	[bflag:$0x3] =	sbarrier.arrive $0xFFFF  }
0x2fb: {  	_ =	shalt  }

</sc_bundles>
